<compile_context>
chip_gen: v7x
topology: tpu7x:2x2x1
jax: 0.10.2.dev20260603
libtpu: 0.0.44.dev20260713+nightly
codegen_flags: <defaults>
</compile_context>

<pallas_src>
import functools

import jax
import jax.numpy as jnp
from jax import lax
from jax.experimental import pallas as pl
from jax.experimental.pallas import tpu as pltpu
from jax.experimental.pallas import tpu_sc as plsc

_NMS_T = 0.5
_SCORE_T = 0.05
_B = 128
_L = 16


def _iou_hot(sx1, sy1, sx2, sy2, sa, tx1, ty1, tx2, ty2, ta):
    xx1 = jnp.maximum(sx1, tx1)
    yy1 = jnp.maximum(sy1, ty1)
    xx2 = jnp.minimum(sx2, tx2)
    yy2 = jnp.minimum(sy2, ty2)
    inter = jnp.maximum(xx2 - xx1, 0.0) * jnp.maximum(yy2 - yy1, 0.0)
    union = sa + ta - inter
    return inter / (union + 1e-6)


def _area(x1, y1, x2, y2):
    return jnp.maximum(x2 - x1, 0.0) * jnp.maximum(y2 - y1, 0.0)



def _transpose_rl(row, eye_f):
    return jnp.sum(jnp.broadcast_to(row, (_B, _B)) * eye_f, axis=1,
                   keepdims=True)


def _rank_body(sr, rank):
    nb = sr.shape[0]
    lane = lax.broadcasted_iota(jnp.int32, (_B, _B), 1)
    sub = lax.broadcasted_iota(jnp.int32, (_B, _B), 0)
    eye_f = (lane == sub).astype(jnp.float32)
    eye_i = (lane == sub).astype(jnp.int32)
    tri_lt = lane < sub

    def outer(bi, c0):
        tcol = _transpose_rl(sr[bi], eye_f)

        def inner(bj, cm):
            srow = sr[bj]
            ge = (srow >= tcol).astype(jnp.int32)
            gt = (srow > tcol).astype(jnp.int32)
            return cm + jnp.where(bj < bi, ge, gt)

        cm = lax.fori_loop(0, nb, inner, jnp.zeros((_B, _B), jnp.int32),
                           unroll=8)
        cm = cm + ((sr[bi] == tcol) & tri_lt).astype(jnp.int32)
        rank_col = jnp.sum(cm, axis=1, keepdims=True)
        rank[bi] = jnp.sum(jnp.broadcast_to(rank_col, (_B, _B)) * eye_i,
                           axis=0, keepdims=True)
        return c0

    lax.fori_loop(0, nb, outer, 0)


def _rank_call(sr):
    nb = sr.shape[0]
    return pl.pallas_call(
        _rank_body,
        out_shape=jax.ShapeDtypeStruct((nb, 1, _B), jnp.int32),
    )(sr)



def _nms_body(x1r, y1r, x2r, y2r, sr, keep, e_scr, et_scr):
    nb = x1r.shape[0]
    keep[...] = (sr[...] > _SCORE_T).astype(jnp.float32)

    lane = lax.broadcasted_iota(jnp.int32, (_B, _B), 1)
    sub = lax.broadcasted_iota(jnp.int32, (_B, _B), 0)
    eye_f = (lane == sub).astype(jnp.float32)
    triu = (lane > sub).astype(jnp.float32)
    tril = (lane < sub).astype(jnp.float32)

    def outer(bi, carry):
        sx1 = _transpose_rl(x1r[bi], eye_f)
        sy1 = _transpose_rl(y1r[bi], eye_f)
        sx2 = _transpose_rl(x2r[bi], eye_f)
        sy2 = _transpose_rl(y2r[bi], eye_f)
        sa = _area(sx1, sy1, sx2, sy2)
        tx1 = x1r[bi]
        ty1 = y1r[bi]
        tx2 = x2r[bi]
        ty2 = y2r[bi]
        ta = _area(tx1, ty1, tx2, ty2)
        hotm = _iou_hot(sx1, sy1, sx2, sy2, sa, tx1, ty1, tx2, ty2, ta)
        e_scr[...] = hotm * triu
        et_scr[...] = hotm * tril

        g_row = keep[bi]
        g_col = _transpose_rl(g_row, eye_f)

        def fcond(c):
            return c[2]

        def fbody(c):
            k_row, k_col_prev, _ = c
            sup_c = jnp.max(et_scr[...] * k_row, axis=1, keepdims=True)
            k_col = jnp.where(sup_c > _NMS_T, 0.0, g_col)
            sup_r = jnp.max(e_scr[...] * k_col, axis=0, keepdims=True)
            k_row2 = jnp.where(sup_r > _NMS_T, 0.0, g_row)
            ch = jnp.sum(jnp.abs(k_col - k_col_prev)) > 0.0
            return k_row2, k_col, ch

        k_row, k_col, _ = lax.while_loop(fcond, fbody, (g_row, g_col, True))
        keep[bi] = k_row

        def inner2(bj, c2):
            ux1 = x1r[bj]
            uy1 = y1r[bj]
            ux2 = x2r[bj]
            uy2 = y2r[bj]
            ua = _area(ux1, uy1, ux2, uy2)
            iou = _iou_hot(sx1, sy1, sx2, sy2, sa, ux1, uy1, ux2, uy2, ua)
            sup = jnp.max(iou * k_col, axis=0, keepdims=True)
            keep[bj] = jnp.where((bj > bi) & (sup > _NMS_T), 0.0, keep[bj])
            return c2

        lax.fori_loop(0, nb, inner2, 0, unroll=8)
        return carry

    lax.fori_loop(0, nb, outer, 0)


def _blocked_nms(x1r, y1r, x2r, y2r, sr):
    nb = x1r.shape[0]
    return pl.pallas_call(
        _nms_body,
        out_shape=jax.ShapeDtypeStruct((nb, 1, _B), jnp.float32),
        scratch_shapes=[pltpu.VMEM((_B, _B), jnp.float32),
                        pltpu.VMEM((_B, _B), jnp.float32)],
    )(x1r, y1r, x2r, y2r, sr)



def _sc_scatter_call(np_, rank, x1, y1, x2, y2, s):
    mesh = plsc.VectorSubcoreMesh(core_axis_name="c", subcore_axis_name="s", num_cores=2, num_subcores=16)

    @functools.partial(
        pl.kernel,
        out_type=[jax.ShapeDtypeStruct((np_,), jnp.float32)] * 5,
        mesh=mesh,
        scratch_types=(
            [pltpu.VMEM((np_,), jnp.int32)]
            + [pltpu.VMEM((np_,), jnp.float32)] * 10
        ),
        compiler_params=pltpu.CompilerParams(needs_layout_passes=False),
    )
    def body(rank_h, x1h, y1h, x2h, y2h, sh, ox1h, oy1h, ox2h, oy2h, osh,
             rank_v, *vs):
        iv = vs[:5]
        ov = vs[5:]
        cid = lax.axis_index("c")
        sid = lax.axis_index("s")

        @pl.when((cid == 0) & (sid == 0))
        def _():
            pltpu.sync_copy(rank_h, rank_v)
            for h, v in zip((x1h, y1h, x2h, y2h, sh), iv):
                pltpu.sync_copy(h, v)

            def chunk(ci, c0):
                off = ci * _L
                idx = rank_v[pl.ds(off, _L)]
                for a in range(5):
                    plsc.store_scatter(ov[a], [idx], iv[a][pl.ds(off, _L)])
                return c0

            lax.fori_loop(0, np_ // _L, chunk, 0)
            for v, h in zip(ov, (ox1h, oy1h, ox2h, oy2h, osh)):
                pltpu.sync_copy(v, h)

    return body(rank, x1, y1, x2, y2, s)



def _sc_gather_call(np_, rank, keep_f, scores):
    mesh = plsc.VectorSubcoreMesh(core_axis_name="c", subcore_axis_name="s", num_cores=2, num_subcores=16)

    @functools.partial(
        pl.kernel,
        out_type=[jax.ShapeDtypeStruct((np_,), jnp.float32)] * 2,
        mesh=mesh,
        scratch_types=(
            [pltpu.VMEM((np_,), jnp.int32)]
            + [pltpu.VMEM((np_,), jnp.float32)] * 4
        ),
        compiler_params=pltpu.CompilerParams(needs_layout_passes=False),
    )
    def body(rank_h, kf_h, s_h, oko_h, oks_h, rank_v, kf_v, s_v, ko_v, ks_v):
        cid = lax.axis_index("c")
        sid = lax.axis_index("s")

        @pl.when((cid == 0) & (sid == 0))
        def _():
            pltpu.sync_copy(rank_h, rank_v)
            pltpu.sync_copy(kf_h, kf_v)
            pltpu.sync_copy(s_h, s_v)

            def chunk(ci, c0):
                off = ci * _L
                idx = rank_v[pl.ds(off, _L)]
                kf = plsc.load_gather(kf_v, [idx])
                ko_v[pl.ds(off, _L)] = kf
                ks_v[pl.ds(off, _L)] = kf * s_v[pl.ds(off, _L)]
                return c0

            lax.fori_loop(0, np_ // _L, chunk, 0)
            pltpu.sync_copy(ko_v, oko_h)
            pltpu.sync_copy(ks_v, oks_h)

    return body(rank, keep_f, scores)



def kernel(boxes, scores):
    n = scores.shape[0]
    nb = (n + _B - 1) // _B
    np_ = nb * _B

    bp = jnp.pad(boxes, ((0, np_ - n), (0, 0)))
    sp = jnp.pad(scores, ((0, np_ - n),), constant_values=-1.0)
    x1, y1, x2, y2 = bp[:, 0], bp[:, 1], bp[:, 2], bp[:, 3]

    def rform(v):
        return v.reshape(nb, 1, _B)

    rank = _rank_call(rform(sp)).reshape(np_)

    sx1, sy1, sx2, sy2, ss = _sc_scatter_call(np_, rank, x1, y1, x2, y2, sp)

    keep_f = _blocked_nms(
        rform(sx1), rform(sy1), rform(sx2), rform(sy2), rform(ss),
    )

    keep_orig_f, kept_scores = _sc_gather_call(np_, rank, keep_f.reshape(np_), sp)

    return kept_scores[:n], keep_orig_f[:n] > 0.5

# --- scband reference (transcript-rebuilt; emitter-appended) ---
"""Pipeline reference for scband-generalized-rcnn-41394894799135 (READ-ONLY COPY).

The authoritative reference and input builder live on the scoring server;
editing this copy changes nothing except your own understanding.
"""

import jax, jax.numpy as jnp
import numpy as np

N = 5000
NMS_THRESHOLD = 0.5
SCORE_THRESHOLD = 0.05


def setup_inputs(seed: int = 0) -> dict:
    key = jax.random.key(seed)
    k1, k2, k3, k4 = jax.random.split(key, 4)
    cx = jax.random.uniform(k1, (N,), minval=0.0, maxval=1024.0)
    cy = jax.random.uniform(k2, (N,), minval=0.0, maxval=1024.0)
    wh = jax.random.uniform(k3, (N, 2), minval=8.0, maxval=128.0)
    boxes = jnp.stack([
        cx - wh[:, 0] / 2.0,
        cy - wh[:, 1] / 2.0,
        cx + wh[:, 0] / 2.0,
        cy + wh[:, 1] / 2.0,
    ], axis=1).astype(jnp.float32)
    scores = jax.random.uniform(k4, (N,), dtype=jnp.float32)
    return {"boxes": boxes, "scores": scores}


def reference(boxes, scores):
    # Greedy class-agnostic NMS, mirroring the suppressed_by loop in
    # post_process_instances (mask_nms/union_nms mode) of GeneralizedRCNN,
    # with axis-aligned box IoU in place of mask IoU.
    n = scores.shape[0]
    # sort by descending score (permute = scores.argsort(descending=True))
    order = jnp.argsort(-scores)
    b = boxes[order]
    s = scores[order]
    x1, y1, x2, y2 = b[:, 0], b[:, 1], b[:, 2], b[:, 3]
    areas = jnp.maximum(x2 - x1, 0.0) * jnp.maximum(y2 - y1, 0.0)
    # dense pairwise IoU (the einsum('ihw,jhw->ij') analogue for boxes)
    xx1 = jnp.maximum(x1[:, None], x1[None, :])
    yy1 = jnp.maximum(y1[:, None], y1[None, :])
    xx2 = jnp.minimum(x2[:, None], x2[None, :])
    yy2 = jnp.minimum(y2[:, None], y2[None, :])
    inter = jnp.maximum(xx2 - xx1, 0.0) * jnp.maximum(yy2 - yy1, 0.0)
    union = areas[:, None] + areas[None, :] - inter
    iou = inter / (union + 1e-6)
    # score threshold gating (sorted_instances.scores > SCORE_THRESHOLD)
    init_keep = s > SCORE_THRESHOLD
    idx = jnp.arange(n)

    def body(i, keep):
        # if box i survives, it suppresses all later boxes with high IoU
        sup = (iou[i] > NMS_THRESHOLD) & (idx > i) & keep[i]
        return keep & (~sup)

    keep = jax.lax.fori_loop(0, n, body, init_keep)
    kept_scores_sorted = s * keep.astype(s.dtype)
    # scatter back to original box order
    inv = jnp.zeros(n, dtype=jnp.int32).at[order].set(idx.astype(jnp.int32))
    kept_scores = kept_scores_sorted[inv]
    keep_orig = keep[inv]
    return kept_scores, keep_orig

if __name__ == "__main__":
    import jax
    _d = setup_inputs()
    print(jax.jit(kernel)(*tuple(_d.values())))

</pallas_src>

<mosaic_0001>
#map = affine_map<(d0, d1) -> (0)>
module attributes {stable_mosaic.version = 14 : i64} {
  func.func @body(%arg0: i32, %arg1: i32, %arg2: memref<5120xi32, #tpu.memory_space<hbm>>, %arg3: memref<5120xf32, #tpu.memory_space<hbm>>, %arg4: memref<5120xf32, #tpu.memory_space<hbm>>, %arg5: memref<5120xf32, #tpu.memory_space<hbm>>, %arg6: memref<5120xf32, #tpu.memory_space<hbm>>, %arg7: memref<5120xf32, #tpu.memory_space<hbm>>, %arg8: memref<5120xf32, #tpu.memory_space<hbm>>, %arg9: memref<5120xf32, #tpu.memory_space<hbm>>, %arg10: memref<5120xf32, #tpu.memory_space<hbm>>, %arg11: memref<5120xf32, #tpu.memory_space<hbm>>, %arg12: memref<5120xf32, #tpu.memory_space<hbm>>, %arg13: memref<5120xi32, #tpu.memory_space<vmem>>, %arg14: memref<5120xf32, #tpu.memory_space<vmem>>, %arg15: memref<5120xf32, #tpu.memory_space<vmem>>, %arg16: memref<5120xf32, #tpu.memory_space<vmem>>, %arg17: memref<5120xf32, #tpu.memory_space<vmem>>, %arg18: memref<5120xf32, #tpu.memory_space<vmem>>, %arg19: memref<5120xf32, #tpu.memory_space<vmem>>, %arg20: memref<5120xf32, #tpu.memory_space<vmem>>, %arg21: memref<5120xf32, #tpu.memory_space<vmem>>, %arg22: memref<5120xf32, #tpu.memory_space<vmem>>, %arg23: memref<5120xf32, #tpu.memory_space<vmem>>) attributes {dimension_semantics = [#tpu.dimension_semantics<core_parallel>, #tpu.dimension_semantics<subcore_parallel>], iteration_bounds = array<i64: 2, 16>, scalar_prefetch = 0 : i64, scratch_operands = 11 : i64, tpu.core_type = #tpu.core_type<sc_vector_subcore>, window_params = [{transform_indices = #map}, {transform_indices = #map}, {transform_indices = #map}, {transform_indices = #map}, {transform_indices = #map}, {transform_indices = #map}, {transform_indices = #map}, {transform_indices = #map}, {transform_indices = #map}, {transform_indices = #map}, {transform_indices = #map}]} {
    %eq3A = arith.constant 0 : i32
    %eq3A_0 = arith.cmpi eq, %arg0, %eq3A : i32
    %eq3A_1 = arith.constant 0 : i32
    %eq3A_2 = arith.cmpi eq, %arg1, %eq3A_1 : i32
    %and3A = arith.andi %eq3A_0, %eq3A_2 : i1
    %convert_element_type3A = arith.extui %and3A : i1 to i32
    %cond3A = arith.constant 0 : i32
    %cond3A_3 = arith.cmpi ne, %convert_element_type3A, %cond3A : i32
    scf.if %cond3A_3 {
      "tpu.region"() ({
        %run_scoped3A = tpu.sem_alloc : memref<!tpu.dma_semaphore, #tpu.memory_space<semaphore_mem>>
        tpu.enqueue_dma source(%arg2 : memref<5120xi32, #tpu.memory_space<hbm>>) target(%arg13 : memref<5120xi32, #tpu.memory_space<vmem>>) target_semaphore(%run_scoped3A : memref<!tpu.dma_semaphore, #tpu.memory_space<semaphore_mem>>)
        tpu.wait_dma2 semaphore(%run_scoped3A : memref<!tpu.dma_semaphore, #tpu.memory_space<semaphore_mem>>) src(%arg2 : memref<5120xi32, #tpu.memory_space<hbm>>) dst(%arg13 : memref<5120xi32, #tpu.memory_space<vmem>>)
        tpu.yield
      }) : () -> ()
      "tpu.region"() ({
        %run_scoped3A = tpu.sem_alloc : memref<!tpu.dma_semaphore, #tpu.memory_space<semaphore_mem>>
        tpu.enqueue_dma source(%arg3 : memref<5120xf32, #tpu.memory_space<hbm>>) target(%arg14 : memref<5120xf32, #tpu.memory_space<vmem>>) target_semaphore(%run_scoped3A : memref<!tpu.dma_semaphore, #tpu.memory_space<semaphore_mem>>)
        tpu.wait_dma2 semaphore(%run_scoped3A : memref<!tpu.dma_semaphore, #tpu.memory_space<semaphore_mem>>) src(%arg3 : memref<5120xf32, #tpu.memory_space<hbm>>) dst(%arg14 : memref<5120xf32, #tpu.memory_space<vmem>>)
        tpu.yield
      }) : () -> ()
      "tpu.region"() ({
        %run_scoped3A = tpu.sem_alloc : memref<!tpu.dma_semaphore, #tpu.memory_space<semaphore_mem>>
        tpu.enqueue_dma source(%arg4 : memref<5120xf32, #tpu.memory_space<hbm>>) target(%arg15 : memref<5120xf32, #tpu.memory_space<vmem>>) target_semaphore(%run_scoped3A : memref<!tpu.dma_semaphore, #tpu.memory_space<semaphore_mem>>)
        tpu.wait_dma2 semaphore(%run_scoped3A : memref<!tpu.dma_semaphore, #tpu.memory_space<semaphore_mem>>) src(%arg4 : memref<5120xf32, #tpu.memory_space<hbm>>) dst(%arg15 : memref<5120xf32, #tpu.memory_space<vmem>>)
        tpu.yield
      }) : () -> ()
      "tpu.region"() ({
        %run_scoped3A = tpu.sem_alloc : memref<!tpu.dma_semaphore, #tpu.memory_space<semaphore_mem>>
        tpu.enqueue_dma source(%arg5 : memref<5120xf32, #tpu.memory_space<hbm>>) target(%arg16 : memref<5120xf32, #tpu.memory_space<vmem>>) target_semaphore(%run_scoped3A : memref<!tpu.dma_semaphore, #tpu.memory_space<semaphore_mem>>)
        tpu.wait_dma2 semaphore(%run_scoped3A : memref<!tpu.dma_semaphore, #tpu.memory_space<semaphore_mem>>) src(%arg5 : memref<5120xf32, #tpu.memory_space<hbm>>) dst(%arg16 : memref<5120xf32, #tpu.memory_space<vmem>>)
        tpu.yield
      }) : () -> ()
      "tpu.region"() ({
        %run_scoped3A = tpu.sem_alloc : memref<!tpu.dma_semaphore, #tpu.memory_space<semaphore_mem>>
        tpu.enqueue_dma source(%arg6 : memref<5120xf32, #tpu.memory_space<hbm>>) target(%arg17 : memref<5120xf32, #tpu.memory_space<vmem>>) target_semaphore(%run_scoped3A : memref<!tpu.dma_semaphore, #tpu.memory_space<semaphore_mem>>)
        tpu.wait_dma2 semaphore(%run_scoped3A : memref<!tpu.dma_semaphore, #tpu.memory_space<semaphore_mem>>) src(%arg6 : memref<5120xf32, #tpu.memory_space<hbm>>) dst(%arg17 : memref<5120xf32, #tpu.memory_space<vmem>>)
        tpu.yield
      }) : () -> ()
      "tpu.region"() ({
        %run_scoped3A = tpu.sem_alloc : memref<!tpu.dma_semaphore, #tpu.memory_space<semaphore_mem>>
        tpu.enqueue_dma source(%arg7 : memref<5120xf32, #tpu.memory_space<hbm>>) target(%arg18 : memref<5120xf32, #tpu.memory_space<vmem>>) target_semaphore(%run_scoped3A : memref<!tpu.dma_semaphore, #tpu.memory_space<semaphore_mem>>)
        tpu.wait_dma2 semaphore(%run_scoped3A : memref<!tpu.dma_semaphore, #tpu.memory_space<semaphore_mem>>) src(%arg7 : memref<5120xf32, #tpu.memory_space<hbm>>) dst(%arg18 : memref<5120xf32, #tpu.memory_space<vmem>>)
        tpu.yield
      }) : () -> ()
      %scan3A = arith.constant 0 : i32
      %scan3A_4 = arith.constant 0 : i32
      %scan3A_5 = arith.constant 320 : i32
      %scan3A_6 = arith.addi %scan3A_4, %scan3A_5 : i32
      %scan3A_7 = arith.constant 1 : i32
      scf.for %scan3A_9 = %scan3A_4 to %scan3A_6 step %scan3A_7  : i32 {
        %mul3A = arith.constant 16 : i32
        %mul3A_10 = arith.muli %scan3A_9, %mul3A : i32
        %get3A = arith.index_cast %mul3A_10 : i32 to index
        %get3A_11 = tpu.vector_load %arg13[%get3A] {strides = array<i32>} : memref<5120xi32, #tpu.memory_space<vmem>>, vector<16xi32>,
        %get3A_12 = arith.index_cast %mul3A_10 : i32 to index
        %get3A_13 = tpu.vector_load %arg14[%get3A_12] {strides = array<i32>} : memref<5120xf32, #tpu.memory_space<vmem>>, vector<16xf32>,
        tpu.vector_store_idx %arg19[%get3A_11], %get3A_13 : memref<5120xf32, #tpu.memory_space<vmem>>[vector<16xi32>], vector<16xf32>,
        %get3A_14 = arith.index_cast %mul3A_10 : i32 to index
        %get3A_15 = tpu.vector_load %arg15[%get3A_14] {strides = array<i32>} : memref<5120xf32, #tpu.memory_space<vmem>>, vector<16xf32>,
        tpu.vector_store_idx %arg20[%get3A_11], %get3A_15 : memref<5120xf32, #tpu.memory_space<vmem>>[vector<16xi32>], vector<16xf32>,
        %get3A_16 = arith.index_cast %mul3A_10 : i32 to index
        %get3A_17 = tpu.vector_load %arg16[%get3A_16] {strides = array<i32>} : memref<5120xf32, #tpu.memory_space<vmem>>, vector<16xf32>,
        tpu.vector_store_idx %arg21[%get3A_11], %get3A_17 : memref<5120xf32, #tpu.memory_space<vmem>>[vector<16xi32>], vector<16xf32>,
        %get3A_18 = arith.index_cast %mul3A_10 : i32 to index
        %get3A_19 = tpu.vector_load %arg17[%get3A_18] {strides = array<i32>} : memref<5120xf32, #tpu.memory_space<vmem>>, vector<16xf32>,
        tpu.vector_store_idx %arg22[%get3A_11], %get3A_19 : memref<5120xf32, #tpu.memory_space<vmem>>[vector<16xi32>], vector<16xf32>,
        %get3A_20 = arith.index_cast %mul3A_10 : i32 to index
        %get3A_21 = tpu.vector_load %arg18[%get3A_20] {strides = array<i32>} : memref<5120xf32, #tpu.memory_space<vmem>>, vector<16xf32>,
        tpu.vector_store_idx %arg23[%get3A_11], %get3A_21 : memref<5120xf32, #tpu.memory_space<vmem>>[vector<16xi32>], vector<16xf32>,
      }
      %scan3A_8 = arith.constant 320 : i32
      "tpu.region"() ({
        %run_scoped3A = tpu.sem_alloc : memref<!tpu.dma_semaphore, #tpu.memory_space<semaphore_mem>>
        tpu.enqueue_dma source(%arg19 : memref<5120xf32, #tpu.memory_space<vmem>>) target(%arg8 : memref<5120xf32, #tpu.memory_space<hbm>>) target_semaphore(%run_scoped3A : memref<!tpu.dma_semaphore, #tpu.memory_space<semaphore_mem>>)
        tpu.wait_dma2 semaphore(%run_scoped3A : memref<!tpu.dma_semaphore, #tpu.memory_space<semaphore_mem>>) src(%arg19 : memref<5120xf32, #tpu.memory_space<vmem>>) dst(%arg8 : memref<5120xf32, #tpu.memory_space<hbm>>)
        tpu.yield
      }) : () -> ()
      "tpu.region"() ({
        %run_scoped3A = tpu.sem_alloc : memref<!tpu.dma_semaphore, #tpu.memory_space<semaphore_mem>>
        tpu.enqueue_dma source(%arg20 : memref<5120xf32, #tpu.memory_space<vmem>>) target(%arg9 : memref<5120xf32, #tpu.memory_space<hbm>>) target_semaphore(%run_scoped3A : memref<!tpu.dma_semaphore, #tpu.memory_space<semaphore_mem>>)
        tpu.wait_dma2 semaphore(%run_scoped3A : memref<!tpu.dma_semaphore, #tpu.memory_space<semaphore_mem>>) src(%arg20 : memref<5120xf32, #tpu.memory_space<vmem>>) dst(%arg9 : memref<5120xf32, #tpu.memory_space<hbm>>)
        tpu.yield
      }) : () -> ()
      "tpu.region"() ({
        %run_scoped3A = tpu.sem_alloc : memref<!tpu.dma_semaphore, #tpu.memory_space<semaphore_mem>>
        tpu.enqueue_dma source(%arg21 : memref<5120xf32, #tpu.memory_space<vmem>>) target(%arg10 : memref<5120xf32, #tpu.memory_space<hbm>>) target_semaphore(%run_scoped3A : memref<!tpu.dma_semaphore, #tpu.memory_space<semaphore_mem>>)
        tpu.wait_dma2 semaphore(%run_scoped3A : memref<!tpu.dma_semaphore, #tpu.memory_space<semaphore_mem>>) src(%arg21 : memref<5120xf32, #tpu.memory_space<vmem>>) dst(%arg10 : memref<5120xf32, #tpu.memory_space<hbm>>)
        tpu.yield
      }) : () -> ()
      "tpu.region"() ({
        %run_scoped3A = tpu.sem_alloc : memref<!tpu.dma_semaphore, #tpu.memory_space<semaphore_mem>>
        tpu.enqueue_dma source(%arg22 : memref<5120xf32, #tpu.memory_space<vmem>>) target(%arg11 : memref<5120xf32, #tpu.memory_space<hbm>>) target_semaphore(%run_scoped3A : memref<!tpu.dma_semaphore, #tpu.memory_space<semaphore_mem>>)
        tpu.wait_dma2 semaphore(%run_scoped3A : memref<!tpu.dma_semaphore, #tpu.memory_space<semaphore_mem>>) src(%arg22 : memref<5120xf32, #tpu.memory_space<vmem>>) dst(%arg11 : memref<5120xf32, #tpu.memory_space<hbm>>)
        tpu.yield
      }) : () -> ()
      "tpu.region"() ({
        %run_scoped3A = tpu.sem_alloc : memref<!tpu.dma_semaphore, #tpu.memory_space<semaphore_mem>>
        tpu.enqueue_dma source(%arg23 : memref<5120xf32, #tpu.memory_space<vmem>>) target(%arg12 : memref<5120xf32, #tpu.memory_space<hbm>>) target_semaphore(%run_scoped3A : memref<!tpu.dma_semaphore, #tpu.memory_space<semaphore_mem>>)
        tpu.wait_dma2 semaphore(%run_scoped3A : memref<!tpu.dma_semaphore, #tpu.memory_space<semaphore_mem>>) src(%arg23 : memref<5120xf32, #tpu.memory_space<vmem>>) dst(%arg12 : memref<5120xf32, #tpu.memory_space<hbm>>)
        tpu.yield
      }) : () -> ()
    } else {
    }
    return
  }
}

#map = affine_map<(d0, d1) -> (0)>
module attributes {stable_mosaic.version = 14 : i64} {
  func.func @body(%arg0: i32, %arg1: i32, %arg2: memref<5120xi32, #tpu.memory_space<hbm>>, %arg3: memref<5120xf32, #tpu.memory_space<hbm>>, %arg4: memref<5120xf32, #tpu.memory_space<hbm>>, %arg5: memref<5120xf32, #tpu.memory_space<hbm>>, %arg6: memref<5120xf32, #tpu.memory_space<hbm>>, %arg7: memref<5120xi32, #tpu.memory_space<vmem>>, %arg8: memref<5120xf32, #tpu.memory_space<vmem>>, %arg9: memref<5120xf32, #tpu.memory_space<vmem>>, %arg10: memref<5120xf32, #tpu.memory_space<vmem>>, %arg11: memref<5120xf32, #tpu.memory_space<vmem>>) attributes {dimension_semantics = [#tpu.dimension_semantics<core_parallel>, #tpu.dimension_semantics<subcore_parallel>], iteration_bounds = array<i64: 2, 16>, scalar_prefetch = 0 : i64, scratch_operands = 5 : i64, tpu.core_type = #tpu.core_type<sc_vector_subcore>, window_params = [{transform_indices = #map}, {transform_indices = #map}, {transform_indices = #map}, {transform_indices = #map}, {transform_indices = #map}]} {
    %eq3A = arith.constant 0 : i32
    %eq3A_0 = arith.cmpi eq, %arg0, %eq3A : i32
    %eq3A_1 = arith.constant 0 : i32
    %eq3A_2 = arith.cmpi eq, %arg1, %eq3A_1 : i32
    %and3A = arith.andi %eq3A_0, %eq3A_2 : i1
    %convert_element_type3A = arith.extui %and3A : i1 to i32
    %cond3A = arith.constant 0 : i32
    %cond3A_3 = arith.cmpi ne, %convert_element_type3A, %cond3A : i32
    scf.if %cond3A_3 {
      "tpu.region"() ({
        %run_scoped3A = tpu.sem_alloc : memref<!tpu.dma_semaphore, #tpu.memory_space<semaphore_mem>>
        tpu.enqueue_dma source(%arg2 : memref<5120xi32, #tpu.memory_space<hbm>>) target(%arg7 : memref<5120xi32, #tpu.memory_space<vmem>>) target_semaphore(%run_scoped3A : memref<!tpu.dma_semaphore, #tpu.memory_space<semaphore_mem>>)
        tpu.wait_dma2 semaphore(%run_scoped3A : memref<!tpu.dma_semaphore, #tpu.memory_space<semaphore_mem>>) src(%arg2 : memref<5120xi32, #tpu.memory_space<hbm>>) dst(%arg7 : memref<5120xi32, #tpu.memory_space<vmem>>)
        tpu.yield
      }) : () -> ()
      "tpu.region"() ({
        %run_scoped3A = tpu.sem_alloc : memref<!tpu.dma_semaphore, #tpu.memory_space<semaphore_mem>>
        tpu.enqueue_dma source(%arg3 : memref<5120xf32, #tpu.memory_space<hbm>>) target(%arg8 : memref<5120xf32, #tpu.memory_space<vmem>>) target_semaphore(%run_scoped3A : memref<!tpu.dma_semaphore, #tpu.memory_space<semaphore_mem>>)
        tpu.wait_dma2 semaphore(%run_scoped3A : memref<!tpu.dma_semaphore, #tpu.memory_space<semaphore_mem>>) src(%arg3 : memref<5120xf32, #tpu.memory_space<hbm>>) dst(%arg8 : memref<5120xf32, #tpu.memory_space<vmem>>)
        tpu.yield
      }) : () -> ()
      "tpu.region"() ({
        %run_scoped3A = tpu.sem_alloc : memref<!tpu.dma_semaphore, #tpu.memory_space<semaphore_mem>>
        tpu.enqueue_dma source(%arg4 : memref<5120xf32, #tpu.memory_space<hbm>>) target(%arg9 : memref<5120xf32, #tpu.memory_space<vmem>>) target_semaphore(%run_scoped3A : memref<!tpu.dma_semaphore, #tpu.memory_space<semaphore_mem>>)
        tpu.wait_dma2 semaphore(%run_scoped3A : memref<!tpu.dma_semaphore, #tpu.memory_space<semaphore_mem>>) src(%arg4 : memref<5120xf32, #tpu.memory_space<hbm>>) dst(%arg9 : memref<5120xf32, #tpu.memory_space<vmem>>)
        tpu.yield
      }) : () -> ()
      %scan3A = arith.constant 0 : i32
      %scan3A_4 = arith.constant 0 : i32
      %scan3A_5 = arith.constant 320 : i32
      %scan3A_6 = arith.addi %scan3A_4, %scan3A_5 : i32
      %scan3A_7 = arith.constant 1 : i32
      scf.for %scan3A_9 = %scan3A_4 to %scan3A_6 step %scan3A_7  : i32 {
        %mul3A = arith.constant 16 : i32
        %mul3A_10 = arith.muli %scan3A_9, %mul3A : i32
        %get3A = arith.index_cast %mul3A_10 : i32 to index
        %get3A_11 = tpu.vector_load %arg7[%get3A] {strides = array<i32>} : memref<5120xi32, #tpu.memory_space<vmem>>, vector<16xi32>,
        %gather3A = tpu.vector_load_idx %arg8[%get3A_11] : memref<5120xf32, #tpu.memory_space<vmem>>[vector<16xi32>], vector<16xf32>,
        %swap3A = arith.index_cast %mul3A_10 : i32 to index
        %swap3A_12 = tpu.vector_load %arg10[%swap3A] {strides = array<i32>} : memref<5120xf32, #tpu.memory_space<vmem>>, vector<16xf32>,
        tpu.vector_store %arg10[%swap3A], %gather3A {strides = array<i32>} : memref<5120xf32, #tpu.memory_space<vmem>>, vector<16xf32>,
        %get3A_13 = arith.index_cast %mul3A_10 : i32 to index
        %get3A_14 = tpu.vector_load %arg9[%get3A_13] {strides = array<i32>} : memref<5120xf32, #tpu.memory_space<vmem>>, vector<16xf32>,
        %mul3A_15 = arith.mulf %gather3A, %get3A_14 : vector<16xf32>
        %swap3A_16 = arith.index_cast %mul3A_10 : i32 to index
        %swap3A_17 = tpu.vector_load %arg11[%swap3A_16] {strides = array<i32>} : memref<5120xf32, #tpu.memory_space<vmem>>, vector<16xf32>,
        tpu.vector_store %arg11[%swap3A_16], %mul3A_15 {strides = array<i32>} : memref<5120xf32, #tpu.memory_space<vmem>>, vector<16xf32>,
      }
      %scan3A_8 = arith.constant 320 : i32
      "tpu.region"() ({
        %run_scoped3A = tpu.sem_alloc : memref<!tpu.dma_semaphore, #tpu.memory_space<semaphore_mem>>
        tpu.enqueue_dma source(%arg10 : memref<5120xf32, #tpu.memory_space<vmem>>) target(%arg5 : memref<5120xf32, #tpu.memory_space<hbm>>) target_semaphore(%run_scoped3A : memref<!tpu.dma_semaphore, #tpu.memory_space<semaphore_mem>>)
        tpu.wait_dma2 semaphore(%run_scoped3A : memref<!tpu.dma_semaphore, #tpu.memory_space<semaphore_mem>>) src(%arg10 : memref<5120xf32, #tpu.memory_space<vmem>>) dst(%arg5 : memref<5120xf32, #tpu.memory_space<hbm>>)
        tpu.yield
      }) : () -> ()
      "tpu.region"() ({
        %run_scoped3A = tpu.sem_alloc : memref<!tpu.dma_semaphore, #tpu.memory_space<semaphore_mem>>
        tpu.enqueue_dma source(%arg11 : memref<5120xf32, #tpu.memory_space<vmem>>) target(%arg6 : memref<5120xf32, #tpu.memory_space<hbm>>) target_semaphore(%run_scoped3A : memref<!tpu.dma_semaphore, #tpu.memory_space<semaphore_mem>>)
        tpu.wait_dma2 semaphore(%run_scoped3A : memref<!tpu.dma_semaphore, #tpu.memory_space<semaphore_mem>>) src(%arg11 : memref<5120xf32, #tpu.memory_space<vmem>>) dst(%arg6 : memref<5120xf32, #tpu.memory_space<hbm>>)
        tpu.yield
      }) : () -> ()
    } else {
    }
    return
  }
}

module attributes {stable_mosaic.version = 14 : i64} {
  func.func @_rank_body(%arg0: memref<40x1x128xf32, #tpu.memory_space<vmem>>, %arg1: memref<40x1x128xi32, #tpu.memory_space<vmem>>) attributes {dimension_semantics = [], scalar_prefetch = 0 : i64, scratch_operands = 0 : i64, tpu.core_type = #tpu.core_type<tc>} {
    %iota3A = tpu.iota {dimensions = array<i32: 1>} : vector<128x128xi32>
    %iota3A_0 = tpu.iota {dimensions = array<i32: 0>} : vector<128x128xi32>
    %eq3A = arith.cmpi eq, %iota3A, %iota3A_0 : vector<128x128xi32>
    %convert_element_type3A = arith.extui %eq3A : vector<128x128xi1> to vector<128x128xi32>
    %convert_element_type3A_1 = arith.sitofp %convert_element_type3A : vector<128x128xi32> to vector<128x128xf32>
    %eq3A_2 = arith.cmpi eq, %iota3A, %iota3A_0 : vector<128x128xi32>
    %convert_element_type3A_3 = arith.extui %eq3A_2 : vector<128x128xi1> to vector<128x128xi32>
    %lt3A = arith.cmpi slt, %iota3A, %iota3A_0 : vector<128x128xi32>
    %scan3A = arith.constant 0 : i32
    %scan3A_4 = arith.constant 40 : i32
    %scan3A_5 = arith.addi %scan3A, %scan3A_4 : i32
    %scan3A_6 = arith.constant 1 : i32
    scf.for %scan3A_8 = %scan3A to %scan3A_5 step %scan3A_6  : i32 {
      %get3A = arith.index_cast %scan3A_8 : i32 to index
      %get3A_9 = arith.constant 0 : index
      %get3A_10 = arith.constant 0 : index
      %get3A_11 = vector.load %arg0[%get3A, %get3A_9, %get3A_10] : memref<40x1x128xf32, #tpu.memory_space<vmem>>, vector<1x1x128xf32>
      %get3A_12 = vector.shape_cast %get3A_11 : vector<1x1x128xf32> to vector<1x128xf32>
      %broadcast_in_dim3A = vector.shape_cast %get3A_12 : vector<1x128xf32> to vector<1x128xf32>
      %broadcast_in_dim3A_13 = vector.broadcast %broadcast_in_dim3A : vector<1x128xf32> to vector<128x128xf32>
      %mul3A = arith.mulf %broadcast_in_dim3A_13, %convert_element_type3A_1 : vector<128x128xf32>
      %reduce_sum3A = arith.constant dense<0.000000e+00> : vector<128xf32>
      %reduce_sum3A_14 = vector.multi_reduction <add>, %mul3A, %reduce_sum3A [1] : vector<128x128xf32> to vector<128xf32>
      %broadcast_in_dim3A_15 = vector.shape_cast %reduce_sum3A_14 : vector<128xf32> to vector<128x1xf32>
      %broadcast_in_dim3A_16 = arith.constant 0 : i32
      %broadcast_in_dim3A_17 = vector.broadcast %broadcast_in_dim3A_16 : i32 to vector<128x128xi32>
      %scan3A_18 = arith.constant 0 : i32
      %scan3A_19 = arith.constant 40 : i32
      %scan3A_20 = arith.addi %scan3A_18, %scan3A_19 : i32
      %scan3A_21 = arith.constant 8 : i32
      %scan3A_22 = scf.for %scan3A_47 = %scan3A_18 to %scan3A_20 step %scan3A_21 iter_args(%scan3A_48 = %broadcast_in_dim3A_17) -> (vector<128x128xi32>)  : i32 {
        %get3A_49 = arith.index_cast %scan3A_47 : i32 to index
        %get3A_50 = arith.constant 0 : index
        %get3A_51 = arith.constant 0 : index
        %get3A_52 = vector.load %arg0[%get3A_49, %get3A_50, %get3A_51] : memref<40x1x128xf32, #tpu.memory_space<vmem>>, vector<1x1x128xf32>
        %get3A_53 = vector.shape_cast %get3A_52 : vector<1x1x128xf32> to vector<1x128xf32>
        %ge3A = vector.broadcast %get3A_53 : vector<1x128xf32> to vector<128x128xf32>
        %ge3A_54 = vector.broadcast %broadcast_in_dim3A_15 : vector<128x1xf32> to vector<128x128xf32>
        %ge3A_55 = arith.cmpf oge, %ge3A, %ge3A_54 : vector<128x128xf32>
        %convert_element_type3A_56 = arith.extui %ge3A_55 : vector<128x128xi1> to vector<128x128xi32>
        %gt3A = vector.broadcast %get3A_53 : vector<1x128xf32> to vector<128x128xf32>
        %gt3A_57 = vector.broadcast %broadcast_in_dim3A_15 : vector<128x1xf32> to vector<128x128xf32>
        %gt3A_58 = arith.cmpf ogt, %gt3A, %gt3A_57 : vector<128x128xf32>
        %convert_element_type3A_59 = arith.extui %gt3A_58 : vector<128x128xi1> to vector<128x128xi32>
        %lt3A_60 = arith.cmpi slt, %scan3A_47, %scan3A_8 : i32
        %select_n3A = arith.select %lt3A_60, %convert_element_type3A_56, %convert_element_type3A_59 : vector<128x128xi32>
        %add3A_61 = arith.addi %scan3A_48, %select_n3A : vector<128x128xi32>
        %scan3A_62 = arith.constant 1 : i32
        %scan3A_63 = arith.addi %scan3A_47, %scan3A_62 : i32
        %get3A_64 = arith.index_cast %scan3A_63 : i32 to index
        %get3A_65 = arith.constant 0 : index
        %get3A_66 = arith.constant 0 : index
        %get3A_67 = vector.load %arg0[%get3A_64, %get3A_65, %get3A_66] : memref<40x1x128xf32, #tpu.memory_space<vmem>>, vector<1x1x128xf32>
        %get3A_68 = vector.shape_cast %get3A_67 : vector<1x1x128xf32> to vector<1x128xf32>
        %ge3A_69 = vector.broadcast %get3A_68 : vector<1x128xf32> to vector<128x128xf32>
        %ge3A_70 = vector.broadcast %broadcast_in_dim3A_15 : vector<128x1xf32> to vector<128x128xf32>
        %ge3A_71 = arith.cmpf oge, %ge3A_69, %ge3A_70 : vector<128x128xf32>
        %convert_element_type3A_72 = arith.extui %ge3A_71 : vector<128x128xi1> to vector<128x128xi32>
        %gt3A_73 = vector.broadcast %get3A_68 : vector<1x128xf32> to vector<128x128xf32>
        %gt3A_74 = vector.broadcast %broadcast_in_dim3A_15 : vector<128x1xf32> to vector<128x128xf32>
        %gt3A_75 = arith.cmpf ogt, %gt3A_73, %gt3A_74 : vector<128x128xf32>
        %convert_element_type3A_76 = arith.extui %gt3A_75 : vector<128x128xi1> to vector<128x128xi32>
        %lt3A_77 = arith.cmpi slt, %scan3A_63, %scan3A_8 : i32
        %select_n3A_78 = arith.select %lt3A_77, %convert_element_type3A_72, %convert_element_type3A_76 : vector<128x128xi32>
        %add3A_79 = arith.addi %add3A_61, %select_n3A_78 : vector<128x128xi32>
        %scan3A_80 = arith.constant 2 : i32
        %scan3A_81 = arith.addi %scan3A_47, %scan3A_80 : i32
        %get3A_82 = arith.index_cast %scan3A_81 : i32 to index
        %get3A_83 = arith.constant 0 : index
        %get3A_84 = arith.constant 0 : index
        %get3A_85 = vector.load %arg0[%get3A_82, %get3A_83, %get3A_84] : memref<40x1x128xf32, #tpu.memory_space<vmem>>, vector<1x1x128xf32>
        %get3A_86 = vector.shape_cast %get3A_85 : vector<1x1x128xf32> to vector<1x128xf32>
        %ge3A_87 = vector.broadcast %get3A_86 : vector<1x128xf32> to vector<128x128xf32>
        %ge3A_88 = vector.broadcast %broadcast_in_dim3A_15 : vector<128x1xf32> to vector<128x128xf32>
        %ge3A_89 = arith.cmpf oge, %ge3A_87, %ge3A_88 : vector<128x128xf32>
        %convert_element_type3A_90 = arith.extui %ge3A_89 : vector<128x128xi1> to vector<128x128xi32>
        %gt3A_91 = vector.broadcast %get3A_86 : vector<1x128xf32> to vector<128x128xf32>
        %gt3A_92 = vector.broadcast %broadcast_in_dim3A_15 : vector<128x1xf32> to vector<128x128xf32>
        %gt3A_93 = arith.cmpf ogt, %gt3A_91, %gt3A_92 : vector<128x128xf32>
        %convert_element_type3A_94 = arith.extui %gt3A_93 : vector<128x128xi1> to vector<128x128xi32>
        %lt3A_95 = arith.cmpi slt, %scan3A_81, %scan3A_8 : i32
        %select_n3A_96 = arith.select %lt3A_95, %convert_element_type3A_90, %convert_element_type3A_94 : vector<128x128xi32>
        %add3A_97 = arith.addi %add3A_79, %select_n3A_96 : vector<128x128xi32>
        %scan3A_98 = arith.constant 3 : i32
        %scan3A_99 = arith.addi %scan3A_47, %scan3A_98 : i32
        %get3A_100 = arith.index_cast %scan3A_99 : i32 to index
        %get3A_101 = arith.constant 0 : index
        %get3A_102 = arith.constant 0 : index
        %get3A_103 = vector.load %arg0[%get3A_100, %get3A_101, %get3A_102] : memref<40x1x128xf32, #tpu.memory_space<vmem>>, vector<1x1x128xf32>
        %get3A_104 = vector.shape_cast %get3A_103 : vector<1x1x128xf32> to vector<1x128xf32>
        %ge3A_105 = vector.broadcast %get3A_104 : vector<1x128xf32> to vector<128x128xf32>
        %ge3A_106 = vector.broadcast %broadcast_in_dim3A_15 : vector<128x1xf32> to vector<128x128xf32>
        %ge3A_107 = arith.cmpf oge, %ge3A_105, %ge3A_106 : vector<128x128xf32>
        %convert_element_type3A_108 = arith.extui %ge3A_107 : vector<128x128xi1> to vector<128x128xi32>
        %gt3A_109 = vector.broadcast %get3A_104 : vector<1x128xf32> to vector<128x128xf32>
        %gt3A_110 = vector.broadcast %broadcast_in_dim3A_15 : vector<128x1xf32> to vector<128x128xf32>
        %gt3A_111 = arith.cmpf ogt, %gt3A_109, %gt3A_110 : vector<128x128xf32>
        %convert_element_type3A_112 = arith.extui %gt3A_111 : vector<128x128xi1> to vector<128x128xi32>
        %lt3A_113 = arith.cmpi slt, %scan3A_99, %scan3A_8 : i32
        %select_n3A_114 = arith.select %lt3A_113, %convert_element_type3A_108, %convert_element_type3A_112 : vector<128x128xi32>
        %add3A_115 = arith.addi %add3A_97, %select_n3A_114 : vector<128x128xi32>
        %scan3A_116 = arith.constant 4 : i32
        %scan3A_117 = arith.addi %scan3A_47, %scan3A_116 : i32
        %get3A_118 = arith.index_cast %scan3A_117 : i32 to index
        %get3A_119 = arith.constant 0 : index
        %get3A_120 = arith.constant 0 : index
        %get3A_121 = vector.load %arg0[%get3A_118, %get3A_119, %get3A_120] : memref<40x1x128xf32, #tpu.memory_space<vmem>>, vector<1x1x128xf32>
        %get3A_122 = vector.shape_cast %get3A_121 : vector<1x1x128xf32> to vector<1x128xf32>
        %ge3A_123 = vector.broadcast %get3A_122 : vector<1x128xf32> to vector<128x128xf32>
        %ge3A_124 = vector.broadcast %broadcast_in_dim3A_15 : vector<128x1xf32> to vector<128x128xf32>
        %ge3A_125 = arith.cmpf oge, %ge3A_123, %ge3A_124 : vector<128x128xf32>
        %convert_element_type3A_126 = arith.extui %ge3A_125 : vector<128x128xi1> to vector<128x128xi32>
        %gt3A_127 = vector.broadcast %get3A_122 : vector<1x128xf32> to vector<128x128xf32>
        %gt3A_128 = vector.broadcast %broadcast_in_dim3A_15 : vector<128x1xf32> to vector<128x128xf32>
        %gt3A_129 = arith.cmpf ogt, %gt3A_127, %gt3A_128 : vector<128x128xf32>
        %convert_element_type3A_130 = arith.extui %gt3A_129 : vector<128x128xi1> to vector<128x128xi32>
        %lt3A_131 = arith.cmpi slt, %scan3A_117, %scan3A_8 : i32
        %select_n3A_132 = arith.select %lt3A_131, %convert_element_type3A_126, %convert_element_type3A_130 : vector<128x128xi32>
        %add3A_133 = arith.addi %add3A_115, %select_n3A_132 : vector<128x128xi32>
        %scan3A_134 = arith.constant 5 : i32
        %scan3A_135 = arith.addi %scan3A_47, %scan3A_134 : i32
        %get3A_136 = arith.index_cast %scan3A_135 : i32 to index
        %get3A_137 = arith.constant 0 : index
        %get3A_138 = arith.constant 0 : index
        %get3A_139 = vector.load %arg0[%get3A_136, %get3A_137, %get3A_138] : memref<40x1x128xf32, #tpu.memory_space<vmem>>, vector<1x1x128xf32>
        %get3A_140 = vector.shape_cast %get3A_139 : vector<1x1x128xf32> to vector<1x128xf32>
        %ge3A_141 = vector.broadcast %get3A_140 : vector<1x128xf32> to vector<128x128xf32>
        %ge3A_142 = vector.broadcast %broadcast_in_dim3A_15 : vector<128x1xf32> to vector<128x128xf32>
        %ge3A_143 = arith.cmpf oge, %ge3A_141, %ge3A_142 : vector<128x128xf32>
        %convert_element_type3A_144 = arith.extui %ge3A_143 : vector<128x128xi1> to vector<128x128xi32>
        %gt3A_145 = vector.broadcast %get3A_140 : vector<1x128xf32> to vector<128x128xf32>
        %gt3A_146 = vector.broadcast %broadcast_in_dim3A_15 : vector<128x1xf32> to vector<128x128xf32>
        %gt3A_147 = arith.cmpf ogt, %gt3A_145, %gt3A_146 : vector<128x128xf32>
        %convert_element_type3A_148 = arith.extui %gt3A_147 : vector<128x128xi1> to vector<128x128xi32>
        %lt3A_149 = arith.cmpi slt, %scan3A_135, %scan3A_8 : i32
        %select_n3A_150 = arith.select %lt3A_149, %convert_element_type3A_144, %convert_element_type3A_148 : vector<128x128xi32>
        %add3A_151 = arith.addi %add3A_133, %select_n3A_150 : vector<128x128xi32>
        %scan3A_152 = arith.constant 6 : i32
        %scan3A_153 = arith.addi %scan3A_47, %scan3A_152 : i32
        %get3A_154 = arith.index_cast %scan3A_153 : i32 to index
        %get3A_155 = arith.constant 0 : index
        %get3A_156 = arith.constant 0 : index
        %get3A_157 = vector.load %arg0[%get3A_154, %get3A_155, %get3A_156] : memref<40x1x128xf32, #tpu.memory_space<vmem>>, vector<1x1x128xf32>
        %get3A_158 = vector.shape_cast %get3A_157 : vector<1x1x128xf32> to vector<1x128xf32>
        %ge3A_159 = vector.broadcast %get3A_158 : vector<1x128xf32> to vector<128x128xf32>
        %ge3A_160 = vector.broadcast %broadcast_in_dim3A_15 : vector<128x1xf32> to vector<128x128xf32>
        %ge3A_161 = arith.cmpf oge, %ge3A_159, %ge3A_160 : vector<128x128xf32>
        %convert_element_type3A_162 = arith.extui %ge3A_161 : vector<128x128xi1> to vector<128x128xi32>
        %gt3A_163 = vector.broadcast %get3A_158 : vector<1x128xf32> to vector<128x128xf32>
        %gt3A_164 = vector.broadcast %broadcast_in_dim3A_15 : vector<128x1xf32> to vector<128x128xf32>
        %gt3A_165 = arith.cmpf ogt, %gt3A_163, %gt3A_164 : vector<128x128xf32>
        %convert_element_type3A_166 = arith.extui %gt3A_165 : vector<128x128xi1> to vector<128x128xi32>
        %lt3A_167 = arith.cmpi slt, %scan3A_153, %scan3A_8 : i32
        %select_n3A_168 = arith.select %lt3A_167, %convert_element_type3A_162, %convert_element_type3A_166 : vector<128x128xi32>
        %add3A_169 = arith.addi %add3A_151, %select_n3A_168 : vector<128x128xi32>
        %scan3A_170 = arith.constant 7 : i32
        %scan3A_171 = arith.addi %scan3A_47, %scan3A_170 : i32
        %get3A_172 = arith.index_cast %scan3A_171 : i32 to index
        %get3A_173 = arith.constant 0 : index
        %get3A_174 = arith.constant 0 : index
        %get3A_175 = vector.load %arg0[%get3A_172, %get3A_173, %get3A_174] : memref<40x1x128xf32, #tpu.memory_space<vmem>>, vector<1x1x128xf32>
        %get3A_176 = vector.shape_cast %get3A_175 : vector<1x1x128xf32> to vector<1x128xf32>
        %ge3A_177 = vector.broadcast %get3A_176 : vector<1x128xf32> to vector<128x128xf32>
        %ge3A_178 = vector.broadcast %broadcast_in_dim3A_15 : vector<128x1xf32> to vector<128x128xf32>
        %ge3A_179 = arith.cmpf oge, %ge3A_177, %ge3A_178 : vector<128x128xf32>
        %convert_element_type3A_180 = arith.extui %ge3A_179 : vector<128x128xi1> to vector<128x128xi32>
        %gt3A_181 = vector.broadcast %get3A_176 : vector<1x128xf32> to vector<128x128xf32>
        %gt3A_182 = vector.broadcast %broadcast_in_dim3A_15 : vector<128x1xf32> to vector<128x128xf32>
        %gt3A_183 = arith.cmpf ogt, %gt3A_181, %gt3A_182 : vector<128x128xf32>
        %convert_element_type3A_184 = arith.extui %gt3A_183 : vector<128x128xi1> to vector<128x128xi32>
        %lt3A_185 = arith.cmpi slt, %scan3A_171, %scan3A_8 : i32
        %select_n3A_186 = arith.select %lt3A_185, %convert_element_type3A_180, %convert_element_type3A_184 : vector<128x128xi32>
        %add3A_187 = arith.addi %add3A_169, %select_n3A_186 : vector<128x128xi32>
        scf.yield %add3A_187 : vector<128x128xi32>
      }
      %scan3A_23 = arith.constant 40 : i32
      %get3A_24 = arith.index_cast %scan3A_8 : i32 to index
      %get3A_25 = arith.constant 0 : index
      %get3A_26 = arith.constant 0 : index
      %get3A_27 = vector.load %arg0[%get3A_24, %get3A_25, %get3A_26] : memref<40x1x128xf32, #tpu.memory_space<vmem>>, vector<1x1x128xf32>
      %get3A_28 = vector.shape_cast %get3A_27 : vector<1x1x128xf32> to vector<1x128xf32>
      %eq3A_29 = vector.broadcast %get3A_28 : vector<1x128xf32> to vector<128x128xf32>
      %eq3A_30 = vector.broadcast %broadcast_in_dim3A_15 : vector<128x1xf32> to vector<128x128xf32>
      %eq3A_31 = arith.cmpf oeq, %eq3A_29, %eq3A_30 : vector<128x128xf32>
      %and3A = arith.andi %eq3A_31, %lt3A : vector<128x128xi1>
      %convert_element_type3A_32 = arith.extui %and3A : vector<128x128xi1> to vector<128x128xi32>
      %add3A = arith.addi %scan3A_22, %convert_element_type3A_32 : vector<128x128xi32>
      %reduce_sum3A_33 = arith.constant dense<0> : vector<128xi32>
      %reduce_sum3A_34 = vector.multi_reduction <add>, %add3A, %reduce_sum3A_33 [1] : vector<128x128xi32> to vector<128xi32>
      %broadcast_in_dim3A_35 = vector.shape_cast %reduce_sum3A_34 : vector<128xi32> to vector<128x1xi32>
      %broadcast_in_dim3A_36 = vector.shape_cast %broadcast_in_dim3A_35 : vector<128x1xi32> to vector<128x1xi32>
      %broadcast_in_dim3A_37 = vector.broadcast %broadcast_in_dim3A_36 : vector<128x1xi32> to vector<128x128xi32>
      %mul3A_38 = arith.muli %broadcast_in_dim3A_37, %convert_element_type3A_3 : vector<128x128xi32>
      %reduce_sum3A_39 = arith.constant dense<0> : vector<128xi32>
      %reduce_sum3A_40 = vector.multi_reduction <add>, %mul3A_38, %reduce_sum3A_39 [0] : vector<128x128xi32> to vector<128xi32>
      %broadcast_in_dim3A_41 = vector.shape_cast %reduce_sum3A_40 : vector<128xi32> to vector<1x128xi32>
      %swap3A = arith.index_cast %scan3A_8 : i32 to index
      %swap3A_42 = arith.constant 0 : index
      %swap3A_43 = arith.constant 0 : index
      %swap3A_44 = vector.load %arg1[%swap3A, %swap3A_42, %swap3A_43] : memref<40x1x128xi32, #tpu.memory_space<vmem>>, vector<1x1x128xi32>
      %swap3A_45 = vector.shape_cast %swap3A_44 : vector<1x1x128xi32> to vector<1x128xi32>
      %swap3A_46 = vector.shape_cast %broadcast_in_dim3A_41 : vector<1x128xi32> to vector<1x1x128xi32>
      tpu.vector_store %arg1[%swap3A, %swap3A_42, %swap3A_43], %swap3A_46 {strides = array<i32>} : memref<40x1x128xi32, #tpu.memory_space<vmem>>, vector<1x1x128xi32>,
    }
    %scan3A_7 = arith.constant 40 : i32
    return
  }
}

module attributes {stable_mosaic.version = 14 : i64} {
  func.func @_nms_body(%arg0: memref<40x1x128xf32, #tpu.memory_space<vmem>>, %arg1: memref<40x1x128xf32, #tpu.memory_space<vmem>>, %arg2: memref<40x1x128xf32, #tpu.memory_space<vmem>>, %arg3: memref<40x1x128xf32, #tpu.memory_space<vmem>>, %arg4: memref<40x1x128xf32, #tpu.memory_space<vmem>>, %arg5: memref<40x1x128xf32, #tpu.memory_space<vmem>>, %arg6: memref<128x128xf32, #tpu.memory_space<vmem>>, %arg7: memref<128x128xf32, #tpu.memory_space<vmem>>) attributes {dimension_semantics = [], scalar_prefetch = 0 : i64, scratch_operands = 2 : i64, tpu.core_type = #tpu.core_type<tc>} {
    %get3A = arith.constant 0 : index
    %get3A_0 = arith.constant 0 : index
    %get3A_1 = arith.constant 0 : index
    %get3A_2 = vector.load %arg4[%get3A, %get3A_0, %get3A_1] : memref<40x1x128xf32, #tpu.memory_space<vmem>>, vector<40x1x128xf32>
    %gt3A = arith.constant 5.000000e-02 : f32
    %gt3A_3 = vector.broadcast %gt3A : f32 to vector<40x1x128xf32>
    %gt3A_4 = arith.cmpf ogt, %get3A_2, %gt3A_3 : vector<40x1x128xf32>
    %convert_element_type3A = arith.extui %gt3A_4 : vector<40x1x128xi1> to vector<40x1x128xi32>
    %convert_element_type3A_5 = arith.sitofp %convert_element_type3A : vector<40x1x128xi32> to vector<40x1x128xf32>
    %swap3A = arith.constant 0 : index
    %swap3A_6 = arith.constant 0 : index
    %swap3A_7 = arith.constant 0 : index
    %swap3A_8 = vector.load %arg5[%swap3A, %swap3A_6, %swap3A_7] : memref<40x1x128xf32, #tpu.memory_space<vmem>>, vector<40x1x128xf32>
    tpu.vector_store %arg5[%swap3A, %swap3A_6, %swap3A_7], %convert_element_type3A_5 {strides = array<i32>} : memref<40x1x128xf32, #tpu.memory_space<vmem>>, vector<40x1x128xf32>,
    %iota3A = tpu.iota {dimensions = array<i32: 1>} : vector<128x128xi32>
    %iota3A_9 = tpu.iota {dimensions = array<i32: 0>} : vector<128x128xi32>
    %eq3A = arith.cmpi eq, %iota3A, %iota3A_9 : vector<128x128xi32>
    %convert_element_type3A_10 = arith.extui %eq3A : vector<128x128xi1> to vector<128x128xi32>
    %convert_element_type3A_11 = arith.sitofp %convert_element_type3A_10 : vector<128x128xi32> to vector<128x128xf32>
    %gt3A_12 = arith.cmpi sgt, %iota3A, %iota3A_9 : vector<128x128xi32>
    %convert_element_type3A_13 = arith.extui %gt3A_12 : vector<128x128xi1> to vector<128x128xi32>
    %convert_element_type3A_14 = arith.sitofp %convert_element_type3A_13 : vector<128x128xi32> to vector<128x128xf32>
    %lt3A = arith.cmpi slt, %iota3A, %iota3A_9 : vector<128x128xi32>
    %convert_element_type3A_15 = arith.extui %lt3A : vector<128x128xi1> to vector<128x128xi32>
    %convert_element_type3A_16 = arith.sitofp %convert_element_type3A_15 : vector<128x128xi32> to vector<128x128xf32>
    %scan3A = arith.constant 0 : i32
    %scan3A_17 = arith.constant 40 : i32
    %scan3A_18 = arith.addi %scan3A, %scan3A_17 : i32
    %scan3A_19 = arith.constant 1 : i32
    scf.for %scan3A_21 = %scan3A to %scan3A_18 step %scan3A_19  : i32 {
      %get3A_22 = arith.index_cast %scan3A_21 : i32 to index
      %get3A_23 = arith.constant 0 : index
      %get3A_24 = arith.constant 0 : index
      %get3A_25 = vector.load %arg0[%get3A_22, %get3A_23, %get3A_24] : memref<40x1x128xf32, #tpu.memory_space<vmem>>, vector<1x1x128xf32>
      %get3A_26 = vector.shape_cast %get3A_25 : vector<1x1x128xf32> to vector<1x128xf32>
      %broadcast_in_dim3A = vector.shape_cast %get3A_26 : vector<1x128xf32> to vector<1x128xf32>
      %broadcast_in_dim3A_27 = vector.broadcast %broadcast_in_dim3A : vector<1x128xf32> to vector<128x128xf32>
      %mul3A = arith.mulf %broadcast_in_dim3A_27, %convert_element_type3A_11 : vector<128x128xf32>
      %reduce_sum3A = arith.constant dense<0.000000e+00> : vector<128xf32>
      %reduce_sum3A_28 = vector.multi_reduction <add>, %mul3A, %reduce_sum3A [1] : vector<128x128xf32> to vector<128xf32>
      %broadcast_in_dim3A_29 = vector.shape_cast %reduce_sum3A_28 : vector<128xf32> to vector<128x1xf32>
      %get3A_30 = arith.index_cast %scan3A_21 : i32 to index
      %get3A_31 = arith.constant 0 : index
      %get3A_32 = arith.constant 0 : index
      %get3A_33 = vector.load %arg1[%get3A_30, %get3A_31, %get3A_32] : memref<40x1x128xf32, #tpu.memory_space<vmem>>, vector<1x1x128xf32>
      %get3A_34 = vector.shape_cast %get3A_33 : vector<1x1x128xf32> to vector<1x128xf32>
      %broadcast_in_dim3A_35 = vector.shape_cast %get3A_34 : vector<1x128xf32> to vector<1x128xf32>
      %broadcast_in_dim3A_36 = vector.broadcast %broadcast_in_dim3A_35 : vector<1x128xf32> to vector<128x128xf32>
      %mul3A_37 = arith.mulf %broadcast_in_dim3A_36, %convert_element_type3A_11 : vector<128x128xf32>
      %reduce_sum3A_38 = arith.constant dense<0.000000e+00> : vector<128xf32>
      %reduce_sum3A_39 = vector.multi_reduction <add>, %mul3A_37, %reduce_sum3A_38 [1] : vector<128x128xf32> to vector<128xf32>
      %broadcast_in_dim3A_40 = vector.shape_cast %reduce_sum3A_39 : vector<128xf32> to vector<128x1xf32>
      %get3A_41 = arith.index_cast %scan3A_21 : i32 to index
      %get3A_42 = arith.constant 0 : index
      %get3A_43 = arith.constant 0 : index
      %get3A_44 = vector.load %arg2[%get3A_41, %get3A_42, %get3A_43] : memref<40x1x128xf32, #tpu.memory_space<vmem>>, vector<1x1x128xf32>
      %get3A_45 = vector.shape_cast %get3A_44 : vector<1x1x128xf32> to vector<1x128xf32>
      %broadcast_in_dim3A_46 = vector.shape_cast %get3A_45 : vector<1x128xf32> to vector<1x128xf32>
      %broadcast_in_dim3A_47 = vector.broadcast %broadcast_in_dim3A_46 : vector<1x128xf32> to vector<128x128xf32>
      %mul3A_48 = arith.mulf %broadcast_in_dim3A_47, %convert_element_type3A_11 : vector<128x128xf32>
      %reduce_sum3A_49 = arith.constant dense<0.000000e+00> : vector<128xf32>
      %reduce_sum3A_50 = vector.multi_reduction <add>, %mul3A_48, %reduce_sum3A_49 [1] : vector<128x128xf32> to vector<128xf32>
      %broadcast_in_dim3A_51 = vector.shape_cast %reduce_sum3A_50 : vector<128xf32> to vector<128x1xf32>
      %get3A_52 = arith.index_cast %scan3A_21 : i32 to index
      %get3A_53 = arith.constant 0 : index
      %get3A_54 = arith.constant 0 : index
      %get3A_55 = vector.load %arg3[%get3A_52, %get3A_53, %get3A_54] : memref<40x1x128xf32, #tpu.memory_space<vmem>>, vector<1x1x128xf32>
      %get3A_56 = vector.shape_cast %get3A_55 : vector<1x1x128xf32> to vector<1x128xf32>
      %broadcast_in_dim3A_57 = vector.shape_cast %get3A_56 : vector<1x128xf32> to vector<1x128xf32>
      %broadcast_in_dim3A_58 = vector.broadcast %broadcast_in_dim3A_57 : vector<1x128xf32> to vector<128x128xf32>
      %mul3A_59 = arith.mulf %broadcast_in_dim3A_58, %convert_element_type3A_11 : vector<128x128xf32>
      %reduce_sum3A_60 = arith.constant dense<0.000000e+00> : vector<128xf32>
      %reduce_sum3A_61 = vector.multi_reduction <add>, %mul3A_59, %reduce_sum3A_60 [1] : vector<128x128xf32> to vector<128xf32>
      %broadcast_in_dim3A_62 = vector.shape_cast %reduce_sum3A_61 : vector<128xf32> to vector<128x1xf32>
      %sub3A = arith.subf %broadcast_in_dim3A_51, %broadcast_in_dim3A_29 : vector<128x1xf32>
      %max3A = arith.constant 0.000000e+00 : f32
      %max3A_63 = vector.broadcast %max3A : f32 to vector<128x1xf32>
      %max3A_64 = arith.maximumf %sub3A, %max3A_63 : vector<128x1xf32>
      %sub3A_65 = arith.subf %broadcast_in_dim3A_62, %broadcast_in_dim3A_40 : vector<128x1xf32>
      %max3A_66 = arith.constant 0.000000e+00 : f32
      %max3A_67 = vector.broadcast %max3A_66 : f32 to vector<128x1xf32>
      %max3A_68 = arith.maximumf %sub3A_65, %max3A_67 : vector<128x1xf32>
      %mul3A_69 = arith.mulf %max3A_64, %max3A_68 : vector<128x1xf32>
      %get3A_70 = arith.index_cast %scan3A_21 : i32 to index
      %get3A_71 = arith.constant 0 : index
      %get3A_72 = arith.constant 0 : index
      %get3A_73 = vector.load %arg0[%get3A_70, %get3A_71, %get3A_72] : memref<40x1x128xf32, #tpu.memory_space<vmem>>, vector<1x1x128xf32>
      %get3A_74 = vector.shape_cast %get3A_73 : vector<1x1x128xf32> to vector<1x128xf32>
      %get3A_75 = arith.index_cast %scan3A_21 : i32 to index
      %get3A_76 = arith.constant 0 : index
      %get3A_77 = arith.constant 0 : index
      %get3A_78 = vector.load %arg1[%get3A_75, %get3A_76, %get3A_77] : memref<40x1x128xf32, #tpu.memory_space<vmem>>, vector<1x1x128xf32>
      %get3A_79 = vector.shape_cast %get3A_78 : vector<1x1x128xf32> to vector<1x128xf32>
      %get3A_80 = arith.index_cast %scan3A_21 : i32 to index
      %get3A_81 = arith.constant 0 : index
      %get3A_82 = arith.constant 0 : index
      %get3A_83 = vector.load %arg2[%get3A_80, %get3A_81, %get3A_82] : memref<40x1x128xf32, #tpu.memory_space<vmem>>, vector<1x1x128xf32>
      %get3A_84 = vector.shape_cast %get3A_83 : vector<1x1x128xf32> to vector<1x128xf32>
      %get3A_85 = arith.index_cast %scan3A_21 : i32 to index
      %get3A_86 = arith.constant 0 : index
      %get3A_87 = arith.constant 0 : index
      %get3A_88 = vector.load %arg3[%get3A_85, %get3A_86, %get3A_87] : memref<40x1x128xf32, #tpu.memory_space<vmem>>, vector<1x1x128xf32>
      %get3A_89 = vector.shape_cast %get3A_88 : vector<1x1x128xf32> to vector<1x128xf32>
      %sub3A_90 = arith.subf %get3A_84, %get3A_74 : vector<1x128xf32>
      %max3A_91 = arith.constant 0.000000e+00 : f32
      %max3A_92 = vector.broadcast %max3A_91 : f32 to vector<1x128xf32>
      %max3A_93 = arith.maximumf %sub3A_90, %max3A_92 : vector<1x128xf32>
      %sub3A_94 = arith.subf %get3A_89, %get3A_79 : vector<1x128xf32>
      %max3A_95 = arith.constant 0.000000e+00 : f32
      %max3A_96 = vector.broadcast %max3A_95 : f32 to vector<1x128xf32>
      %max3A_97 = arith.maximumf %sub3A_94, %max3A_96 : vector<1x128xf32>
      %mul3A_98 = arith.mulf %max3A_93, %max3A_97 : vector<1x128xf32>
      %max3A_99 = vector.broadcast %broadcast_in_dim3A_29 : vector<128x1xf32> to vector<128x128xf32>
      %max3A_100 = vector.broadcast %get3A_74 : vector<1x128xf32> to vector<128x128xf32>
      %max3A_101 = arith.maximumf %max3A_99, %max3A_100 : vector<128x128xf32>
      %max3A_102 = vector.broadcast %broadcast_in_dim3A_40 : vector<128x1xf32> to vector<128x128xf32>
      %max3A_103 = vector.broadcast %get3A_79 : vector<1x128xf32> to vector<128x128xf32>
      %max3A_104 = arith.maximumf %max3A_102, %max3A_103 : vector<128x128xf32>
      %min3A = vector.broadcast %broadcast_in_dim3A_51 : vector<128x1xf32> to vector<128x128xf32>
      %min3A_105 = vector.broadcast %get3A_84 : vector<1x128xf32> to vector<128x128xf32>
      %min3A_106 = arith.minimumf %min3A, %min3A_105 : vector<128x128xf32>
      %min3A_107 = vector.broadcast %broadcast_in_dim3A_62 : vector<128x1xf32> to vector<128x128xf32>
      %min3A_108 = vector.broadcast %get3A_89 : vector<1x128xf32> to vector<128x128xf32>
      %min3A_109 = arith.minimumf %min3A_107, %min3A_108 : vector<128x128xf32>
      %sub3A_110 = arith.subf %min3A_106, %max3A_101 : vector<128x128xf32>
      %max3A_111 = arith.constant 0.000000e+00 : f32
      %max3A_112 = vector.broadcast %max3A_111 : f32 to vector<128x128xf32>
      %max3A_113 = arith.maximumf %sub3A_110, %max3A_112 : vector<128x128xf32>
      %sub3A_114 = arith.subf %min3A_109, %max3A_104 : vector<128x128xf32>
      %max3A_115 = arith.constant 0.000000e+00 : f32
      %max3A_116 = vector.broadcast %max3A_115 : f32 to vector<128x128xf32>
      %max3A_117 = arith.maximumf %sub3A_114, %max3A_116 : vector<128x128xf32>
      %mul3A_118 = arith.mulf %max3A_113, %max3A_117 : vector<128x128xf32>
      %add3A = vector.broadcast %mul3A_69 : vector<128x1xf32> to vector<128x128xf32>
      %add3A_119 = vector.broadcast %mul3A_98 : vector<1x128xf32> to vector<128x128xf32>
      %add3A_120 = arith.addf %add3A, %add3A_119 : vector<128x128xf32>
      %sub3A_121 = arith.subf %add3A_120, %mul3A_118 : vector<128x128xf32>
      %add3A_122 = arith.constant 9.99999997E-7 : f32
      %add3A_123 = vector.broadcast %add3A_122 : f32 to vector<128x128xf32>
      %add3A_124 = arith.addf %sub3A_121, %add3A_123 : vector<128x128xf32>
      %div3A = arith.divf %mul3A_118, %add3A_124 : vector<128x128xf32>
      %mul3A_125 = arith.mulf %div3A, %convert_element_type3A_14 : vector<128x128xf32>
      %swap3A_126 = arith.constant 0 : index
      %swap3A_127 = arith.constant 0 : index
      %swap3A_128 = vector.load %arg6[%swap3A_126, %swap3A_127] : memref<128x128xf32, #tpu.memory_space<vmem>>, vector<128x128xf32>
      tpu.vector_store %arg6[%swap3A_126, %swap3A_127], %mul3A_125 {strides = array<i32>} : memref<128x128xf32, #tpu.memory_space<vmem>>, vector<128x128xf32>,
      %mul3A_129 = arith.mulf %div3A, %convert_element_type3A_16 : vector<128x128xf32>
      %swap3A_130 = arith.constant 0 : index
      %swap3A_131 = arith.constant 0 : index
      %swap3A_132 = vector.load %arg7[%swap3A_130, %swap3A_131] : memref<128x128xf32, #tpu.memory_space<vmem>>, vector<128x128xf32>
      tpu.vector_store %arg7[%swap3A_130, %swap3A_131], %mul3A_129 {strides = array<i32>} : memref<128x128xf32, #tpu.memory_space<vmem>>, vector<128x128xf32>,
      %get3A_133 = arith.index_cast %scan3A_21 : i32 to index
      %get3A_134 = arith.constant 0 : index
      %get3A_135 = arith.constant 0 : index
      %get3A_136 = vector.load %arg5[%get3A_133, %get3A_134, %get3A_135] : memref<40x1x128xf32, #tpu.memory_space<vmem>>, vector<1x1x128xf32>
      %get3A_137 = vector.shape_cast %get3A_136 : vector<1x1x128xf32> to vector<1x128xf32>
      %broadcast_in_dim3A_138 = vector.shape_cast %get3A_137 : vector<1x128xf32> to vector<1x128xf32>
      %broadcast_in_dim3A_139 = vector.broadcast %broadcast_in_dim3A_138 : vector<1x128xf32> to vector<128x128xf32>
      %mul3A_140 = arith.mulf %broadcast_in_dim3A_139, %convert_element_type3A_11 : vector<128x128xf32>
      %reduce_sum3A_141 = arith.constant dense<0.000000e+00> : vector<128xf32>
      %reduce_sum3A_142 = vector.multi_reduction <add>, %mul3A_140, %reduce_sum3A_141 [1] : vector<128x128xf32> to vector<128xf32>
      %broadcast_in_dim3A_143 = vector.shape_cast %reduce_sum3A_142 : vector<128xf32> to vector<128x1xf32>
      %while3A = arith.constant true
      %while3A_144:3 = scf.while (%while3A_156 = %get3A_137, %while3A_157 = %broadcast_in_dim3A_143, %while3A_158 = %while3A) : (vector<1x128xf32>, vector<128x1xf32>, i1) -> (vector<1x128xf32>, vector<128x1xf32>, i1) {
        scf.condition(%while3A_158) %while3A_156, %while3A_157, %while3A_158 : vector<1x128xf32>, vector<128x1xf32>, i1
      } do {
      ^bb0(%while3A_156: vector<1x128xf32>, %while3A_157: vector<128x1xf32>, %while3A_158: i1):
        %get3A_159 = arith.constant 0 : index
        %get3A_160 = arith.constant 0 : index
        %get3A_161 = vector.load %arg7[%get3A_159, %get3A_160] : memref<128x128xf32, #tpu.memory_space<vmem>>, vector<128x128xf32>
        %mul3A_162 = vector.broadcast %while3A_156 : vector<1x128xf32> to vector<128x128xf32>
        %mul3A_163 = arith.mulf %get3A_161, %mul3A_162 : vector<128x128xf32>
        %reduce_max3A = arith.constant dense<0xFF800000> : vector<128xf32>
        %reduce_max3A_164 = vector.multi_reduction <maximumf>, %mul3A_163, %reduce_max3A [1] : vector<128x128xf32> to vector<128xf32>
        %broadcast_in_dim3A_165 = vector.shape_cast %reduce_max3A_164 : vector<128xf32> to vector<128x1xf32>
        %gt3A_166 = arith.constant 5.000000e-01 : f32
        %gt3A_167 = vector.broadcast %gt3A_166 : f32 to vector<128x1xf32>
        %gt3A_168 = arith.cmpf ogt, %broadcast_in_dim3A_165, %gt3A_167 : vector<128x1xf32>
        %jit3A = arith.constant 0.000000e+00 : f32
        %broadcast_in_dim3A_169 = vector.broadcast %jit3A : f32 to vector<128x1xf32>
        %select_n3A = arith.select %gt3A_168, %broadcast_in_dim3A_169, %broadcast_in_dim3A_143 : vector<128x1xi1>, vector<128x1xf32>
        %get3A_170 = arith.constant 0 : index
        %get3A_171 = arith.constant 0 : index
        %get3A_172 = vector.load %arg6[%get3A_170, %get3A_171] : memref<128x128xf32, #tpu.memory_space<vmem>>, vector<128x128xf32>
        %mul3A_173 = vector.broadcast %select_n3A : vector<128x1xf32> to vector<128x128xf32>
        %mul3A_174 = arith.mulf %get3A_172, %mul3A_173 : vector<128x128xf32>
        %reduce_max3A_175 = arith.constant dense<0xFF800000> : vector<128xf32>
        %reduce_max3A_176 = vector.multi_reduction <maximumf>, %mul3A_174, %reduce_max3A_175 [0] : vector<128x128xf32> to vector<128xf32>
        %broadcast_in_dim3A_177 = vector.shape_cast %reduce_max3A_176 : vector<128xf32> to vector<1x128xf32>
        %gt3A_178 = arith.constant 5.000000e-01 : f32
        %gt3A_179 = vector.broadcast %gt3A_178 : f32 to vector<1x128xf32>
        %gt3A_180 = arith.cmpf ogt, %broadcast_in_dim3A_177, %gt3A_179 : vector<1x128xf32>
        %jit3A_181 = arith.constant 0.000000e+00 : f32
        %broadcast_in_dim3A_182 = vector.broadcast %jit3A_181 : f32 to vector<1x128xf32>
        %select_n3A_183 = arith.select %gt3A_180, %broadcast_in_dim3A_182, %get3A_137 : vector<1x128xi1>, vector<1x128xf32>
        %sub3A_184 = arith.subf %select_n3A, %while3A_157 : vector<128x1xf32>
        %abs3A = math.absf %sub3A_184 : vector<128x1xf32>
        %reduce_sum3A_185 = vector.shape_cast %abs3A : vector<128x1xf32> to vector<1x128x1xf32>
        %reduce_sum3A_186 = arith.constant dense<0.000000e+00> : vector<1xf32>
        %reduce_sum3A_187 = vector.multi_reduction <add>, %reduce_sum3A_185, %reduce_sum3A_186 [1, 2] : vector<1x128x1xf32> to vector<1xf32>
        %reduce_sum3A_188 = vector.shape_cast %reduce_sum3A_187 : vector<1xf32> to vector<1x1x1xf32>
        %reduce_sum3A_189 = vector.extract %reduce_sum3A_188[0, 0, 0] : f32 from vector<1x1x1xf32>
        %gt3A_190 = arith.constant 0.000000e+00 : f32
        %gt3A_191 = arith.cmpf ogt, %reduce_sum3A_189, %gt3A_190 : f32
        scf.yield %select_n3A_183, %select_n3A, %gt3A_191 : vector<1x128xf32>, vector<128x1xf32>, i1
      }
      %swap3A_145 = arith.index_cast %scan3A_21 : i32 to index
      %swap3A_146 = arith.constant 0 : index
      %swap3A_147 = arith.constant 0 : index
      %swap3A_148 = vector.load %arg5[%swap3A_145, %swap3A_146, %swap3A_147] : memref<40x1x128xf32, #tpu.memory_space<vmem>>, vector<1x1x128xf32>
      %swap3A_149 = vector.shape_cast %swap3A_148 : vector<1x1x128xf32> to vector<1x128xf32>
      %swap3A_150 = vector.shape_cast %while3A_144#0 : vector<1x128xf32> to vector<1x1x128xf32>
      tpu.vector_store %arg5[%swap3A_145, %swap3A_146, %swap3A_147], %swap3A_150 {strides = array<i32>} : memref<40x1x128xf32, #tpu.memory_space<vmem>>, vector<1x1x128xf32>,
      %scan3A_151 = arith.constant 0 : i32
      %scan3A_152 = arith.constant 40 : i32
      %scan3A_153 = arith.addi %scan3A_151, %scan3A_152 : i32
      %scan3A_154 = arith.constant 8 : i32
      scf.for %scan3A_156 = %scan3A_151 to %scan3A_153 step %scan3A_154  : i32 {
        %get3A_157 = arith.index_cast %scan3A_156 : i32 to index
        %get3A_158 = arith.constant 0 : index
        %get3A_159 = arith.constant 0 : index
        %get3A_160 = vector.load %arg0[%get3A_157, %get3A_158, %get3A_159] : memref<40x1x128xf32, #tpu.memory_space<vmem>>, vector<1x1x128xf32>
        %get3A_161 = vector.shape_cast %get3A_160 : vector<1x1x128xf32> to vector<1x128xf32>
        %get3A_162 = arith.index_cast %scan3A_156 : i32 to index
        %get3A_163 = arith.constant 0 : index
        %get3A_164 = arith.constant 0 : index
        %get3A_165 = vector.load %arg1[%get3A_162, %get3A_163, %get3A_164] : memref<40x1x128xf32, #tpu.memory_space<vmem>>, vector<1x1x128xf32>
        %get3A_166 = vector.shape_cast %get3A_165 : vector<1x1x128xf32> to vector<1x128xf32>
        %get3A_167 = arith.index_cast %scan3A_156 : i32 to index
        %get3A_168 = arith.constant 0 : index
        %get3A_169 = arith.constant 0 : index
        %get3A_170 = vector.load %arg2[%get3A_167, %get3A_168, %get3A_169] : memref<40x1x128xf32, #tpu.memory_space<vmem>>, vector<1x1x128xf32>
        %get3A_171 = vector.shape_cast %get3A_170 : vector<1x1x128xf32> to vector<1x128xf32>
        %get3A_172 = arith.index_cast %scan3A_156 : i32 to index
        %get3A_173 = arith.constant 0 : index
        %get3A_174 = arith.constant 0 : index
        %get3A_175 = vector.load %arg3[%get3A_172, %get3A_173, %get3A_174] : memref<40x1x128xf32, #tpu.memory_space<vmem>>, vector<1x1x128xf32>
        %get3A_176 = vector.shape_cast %get3A_175 : vector<1x1x128xf32> to vector<1x128xf32>
        %sub3A_177 = arith.subf %get3A_171, %get3A_161 : vector<1x128xf32>
        %max3A_178 = arith.constant 0.000000e+00 : f32
        %max3A_179 = vector.broadcast %max3A_178 : f32 to vector<1x128xf32>
        %max3A_180 = arith.maximumf %sub3A_177, %max3A_179 : vector<1x128xf32>
        %sub3A_181 = arith.subf %get3A_176, %get3A_166 : vector<1x128xf32>
        %max3A_182 = arith.constant 0.000000e+00 : f32
        %max3A_183 = vector.broadcast %max3A_182 : f32 to vector<1x128xf32>
        %max3A_184 = arith.maximumf %sub3A_181, %max3A_183 : vector<1x128xf32>
        %mul3A_185 = arith.mulf %max3A_180, %max3A_184 : vector<1x128xf32>
        %max3A_186 = vector.broadcast %broadcast_in_dim3A_29 : vector<128x1xf32> to vector<128x128xf32>
        %max3A_187 = vector.broadcast %get3A_161 : vector<1x128xf32> to vector<128x128xf32>
        %max3A_188 = arith.maximumf %max3A_186, %max3A_187 : vector<128x128xf32>
        %max3A_189 = vector.broadcast %broadcast_in_dim3A_40 : vector<128x1xf32> to vector<128x128xf32>
        %max3A_190 = vector.broadcast %get3A_166 : vector<1x128xf32> to vector<128x128xf32>
        %max3A_191 = arith.maximumf %max3A_189, %max3A_190 : vector<128x128xf32>
        %min3A_192 = vector.broadcast %broadcast_in_dim3A_51 : vector<128x1xf32> to vector<128x128xf32>
        %min3A_193 = vector.broadcast %get3A_171 : vector<1x128xf32> to vector<128x128xf32>
        %min3A_194 = arith.minimumf %min3A_192, %min3A_193 : vector<128x128xf32>
        %min3A_195 = vector.broadcast %broadcast_in_dim3A_62 : vector<128x1xf32> to vector<128x128xf32>
        %min3A_196 = vector.broadcast %get3A_176 : vector<1x128xf32> to vector<128x128xf32>
        %min3A_197 = arith.minimumf %min3A_195, %min3A_196 : vector<128x128xf32>
        %sub3A_198 = arith.subf %min3A_194, %max3A_188 : vector<128x128xf32>
        %max3A_199 = arith.constant 0.000000e+00 : f32
        %max3A_200 = vector.broadcast %max3A_199 : f32 to vector<128x128xf32>
        %max3A_201 = arith.maximumf %sub3A_198, %max3A_200 : vector<128x128xf32>
        %sub3A_202 = arith.subf %min3A_197, %max3A_191 : vector<128x128xf32>
        %max3A_203 = arith.constant 0.000000e+00 : f32
        %max3A_204 = vector.broadcast %max3A_203 : f32 to vector<128x128xf32>
        %max3A_205 = arith.maximumf %sub3A_202, %max3A_204 : vector<128x128xf32>
        %mul3A_206 = arith.mulf %max3A_201, %max3A_205 : vector<128x128xf32>
        %add3A_207 = vector.broadcast %mul3A_69 : vector<128x1xf32> to vector<128x128xf32>
        %add3A_208 = vector.broadcast %mul3A_185 : vector<1x128xf32> to vector<128x128xf32>
        %add3A_209 = arith.addf %add3A_207, %add3A_208 : vector<128x128xf32>
        %sub3A_210 = arith.subf %add3A_209, %mul3A_206 : vector<128x128xf32>
        %add3A_211 = arith.constant 9.99999997E-7 : f32
        %add3A_212 = vector.broadcast %add3A_211 : f32 to vector<128x128xf32>
        %add3A_213 = arith.addf %sub3A_210, %add3A_212 : vector<128x128xf32>
        %div3A_214 = arith.divf %mul3A_206, %add3A_213 : vector<128x128xf32>
        %mul3A_215 = vector.broadcast %while3A_144#1 : vector<128x1xf32> to vector<128x128xf32>
        %mul3A_216 = arith.mulf %div3A_214, %mul3A_215 : vector<128x128xf32>
        %reduce_max3A = arith.constant dense<0xFF800000> : vector<128xf32>
        %reduce_max3A_217 = vector.multi_reduction <maximumf>, %mul3A_216, %reduce_max3A [0] : vector<128x128xf32> to vector<128xf32>
        %broadcast_in_dim3A_218 = vector.shape_cast %reduce_max3A_217 : vector<128xf32> to vector<1x128xf32>
        %gt3A_219 = arith.cmpi sgt, %scan3A_156, %scan3A_21 : i32
        %gt3A_220 = arith.constant 5.000000e-01 : f32
        %gt3A_221 = vector.broadcast %gt3A_220 : f32 to vector<1x128xf32>
        %gt3A_222 = arith.cmpf ogt, %broadcast_in_dim3A_218, %gt3A_221 : vector<1x128xf32>
        %and3A = vector.broadcast %gt3A_219 : i1 to vector<1x128xi1>
        %and3A_223 = arith.andi %and3A, %gt3A_222 : vector<1x128xi1>
        %get3A_224 = arith.index_cast %scan3A_156 : i32 to index
        %get3A_225 = arith.constant 0 : index
        %get3A_226 = arith.constant 0 : index
        %get3A_227 = vector.load %arg5[%get3A_224, %get3A_225, %get3A_226] : memref<40x1x128xf32, #tpu.memory_space<vmem>>, vector<1x1x128xf32>
        %get3A_228 = vector.shape_cast %get3A_227 : vector<1x1x128xf32> to vector<1x128xf32>
        %jit3A = arith.constant 0.000000e+00 : f32
        %broadcast_in_dim3A_229 = vector.broadcast %jit3A : f32 to vector<1x128xf32>
        %select_n3A = arith.select %and3A_223, %broadcast_in_dim3A_229, %get3A_228 : vector<1x128xi1>, vector<1x128xf32>
        %swap3A_230 = arith.index_cast %scan3A_156 : i32 to index
        %swap3A_231 = arith.constant 0 : index
        %swap3A_232 = arith.constant 0 : index
        %swap3A_233 = vector.load %arg5[%swap3A_230, %swap3A_231, %swap3A_232] : memref<40x1x128xf32, #tpu.memory_space<vmem>>, vector<1x1x128xf32>
        %swap3A_234 = vector.shape_cast %swap3A_233 : vector<1x1x128xf32> to vector<1x128xf32>
        %swap3A_235 = vector.shape_cast %select_n3A : vector<1x128xf32> to vector<1x1x128xf32>
        tpu.vector_store %arg5[%swap3A_230, %swap3A_231, %swap3A_232], %swap3A_235 {strides = array<i32>} : memref<40x1x128xf32, #tpu.memory_space<vmem>>, vector<1x1x128xf32>,
        %scan3A_236 = arith.constant 1 : i32
        %scan3A_237 = arith.addi %scan3A_156, %scan3A_236 : i32
        %get3A_238 = arith.index_cast %scan3A_237 : i32 to index
        %get3A_239 = arith.constant 0 : index
        %get3A_240 = arith.constant 0 : index
        %get3A_241 = vector.load %arg0[%get3A_238, %get3A_239, %get3A_240] : memref<40x1x128xf32, #tpu.memory_space<vmem>>, vector<1x1x128xf32>
        %get3A_242 = vector.shape_cast %get3A_241 : vector<1x1x128xf32> to vector<1x128xf32>
        %get3A_243 = arith.index_cast %scan3A_237 : i32 to index
        %get3A_244 = arith.constant 0 : index
        %get3A_245 = arith.constant 0 : index
        %get3A_246 = vector.load %arg1[%get3A_243, %get3A_244, %get3A_245] : memref<40x1x128xf32, #tpu.memory_space<vmem>>, vector<1x1x128xf32>
        %get3A_247 = vector.shape_cast %get3A_246 : vector<1x1x128xf32> to vector<1x128xf32>
        %get3A_248 = arith.index_cast %scan3A_237 : i32 to index
        %get3A_249 = arith.constant 0 : index
        %get3A_250 = arith.constant 0 : index
        %get3A_251 = vector.load %arg2[%get3A_248, %get3A_249, %get3A_250] : memref<40x1x128xf32, #tpu.memory_space<vmem>>, vector<1x1x128xf32>
        %get3A_252 = vector.shape_cast %get3A_251 : vector<1x1x128xf32> to vector<1x128xf32>
        %get3A_253 = arith.index_cast %scan3A_237 : i32 to index
        %get3A_254 = arith.constant 0 : index
        %get3A_255 = arith.constant 0 : index
        %get3A_256 = vector.load %arg3[%get3A_253, %get3A_254, %get3A_255] : memref<40x1x128xf32, #tpu.memory_space<vmem>>, vector<1x1x128xf32>
        %get3A_257 = vector.shape_cast %get3A_256 : vector<1x1x128xf32> to vector<1x128xf32>
        %sub3A_258 = arith.subf %get3A_252, %get3A_242 : vector<1x128xf32>
        %max3A_259 = arith.constant 0.000000e+00 : f32
        %max3A_260 = vector.broadcast %max3A_259 : f32 to vector<1x128xf32>
        %max3A_261 = arith.maximumf %sub3A_258, %max3A_260 : vector<1x128xf32>
        %sub3A_262 = arith.subf %get3A_257, %get3A_247 : vector<1x128xf32>
        %max3A_263 = arith.constant 0.000000e+00 : f32
        %max3A_264 = vector.broadcast %max3A_263 : f32 to vector<1x128xf32>
        %max3A_265 = arith.maximumf %sub3A_262, %max3A_264 : vector<1x128xf32>
        %mul3A_266 = arith.mulf %max3A_261, %max3A_265 : vector<1x128xf32>
        %max3A_267 = vector.broadcast %broadcast_in_dim3A_29 : vector<128x1xf32> to vector<128x128xf32>
        %max3A_268 = vector.broadcast %get3A_242 : vector<1x128xf32> to vector<128x128xf32>
        %max3A_269 = arith.maximumf %max3A_267, %max3A_268 : vector<128x128xf32>
        %max3A_270 = vector.broadcast %broadcast_in_dim3A_40 : vector<128x1xf32> to vector<128x128xf32>
        %max3A_271 = vector.broadcast %get3A_247 : vector<1x128xf32> to vector<128x128xf32>
        %max3A_272 = arith.maximumf %max3A_270, %max3A_271 : vector<128x128xf32>
        %min3A_273 = vector.broadcast %broadcast_in_dim3A_51 : vector<128x1xf32> to vector<128x128xf32>
        %min3A_274 = vector.broadcast %get3A_252 : vector<1x128xf32> to vector<128x128xf32>
        %min3A_275 = arith.minimumf %min3A_273, %min3A_274 : vector<128x128xf32>
        %min3A_276 = vector.broadcast %broadcast_in_dim3A_62 : vector<128x1xf32> to vector<128x128xf32>
        %min3A_277 = vector.broadcast %get3A_257 : vector<1x128xf32> to vector<128x128xf32>
        %min3A_278 = arith.minimumf %min3A_276, %min3A_277 : vector<128x128xf32>
        %sub3A_279 = arith.subf %min3A_275, %max3A_269 : vector<128x128xf32>
        %max3A_280 = arith.constant 0.000000e+00 : f32
        %max3A_281 = vector.broadcast %max3A_280 : f32 to vector<128x128xf32>
        %max3A_282 = arith.maximumf %sub3A_279, %max3A_281 : vector<128x128xf32>
        %sub3A_283 = arith.subf %min3A_278, %max3A_272 : vector<128x128xf32>
        %max3A_284 = arith.constant 0.000000e+00 : f32
        %max3A_285 = vector.broadcast %max3A_284 : f32 to vector<128x128xf32>
        %max3A_286 = arith.maximumf %sub3A_283, %max3A_285 : vector<128x128xf32>
        %mul3A_287 = arith.mulf %max3A_282, %max3A_286 : vector<128x128xf32>
        %add3A_288 = vector.broadcast %mul3A_69 : vector<128x1xf32> to vector<128x128xf32>
        %add3A_289 = vector.broadcast %mul3A_266 : vector<1x128xf32> to vector<128x128xf32>
        %add3A_290 = arith.addf %add3A_288, %add3A_289 : vector<128x128xf32>
        %sub3A_291 = arith.subf %add3A_290, %mul3A_287 : vector<128x128xf32>
        %add3A_292 = arith.constant 9.99999997E-7 : f32
        %add3A_293 = vector.broadcast %add3A_292 : f32 to vector<128x128xf32>
        %add3A_294 = arith.addf %sub3A_291, %add3A_293 : vector<128x128xf32>
        %div3A_295 = arith.divf %mul3A_287, %add3A_294 : vector<128x128xf32>
        %mul3A_296 = vector.broadcast %while3A_144#1 : vector<128x1xf32> to vector<128x128xf32>
        %mul3A_297 = arith.mulf %div3A_295, %mul3A_296 : vector<128x128xf32>
        %reduce_max3A_298 = arith.constant dense<0xFF800000> : vector<128xf32>
        %reduce_max3A_299 = vector.multi_reduction <maximumf>, %mul3A_297, %reduce_max3A_298 [0] : vector<128x128xf32> to vector<128xf32>
        %broadcast_in_dim3A_300 = vector.shape_cast %reduce_max3A_299 : vector<128xf32> to vector<1x128xf32>
        %gt3A_301 = arith.cmpi sgt, %scan3A_237, %scan3A_21 : i32
        %gt3A_302 = arith.constant 5.000000e-01 : f32
        %gt3A_303 = vector.broadcast %gt3A_302 : f32 to vector<1x128xf32>
        %gt3A_304 = arith.cmpf ogt, %broadcast_in_dim3A_300, %gt3A_303 : vector<1x128xf32>
        %and3A_305 = vector.broadcast %gt3A_301 : i1 to vector<1x128xi1>
        %and3A_306 = arith.andi %and3A_305, %gt3A_304 : vector<1x128xi1>
        %get3A_307 = arith.index_cast %scan3A_237 : i32 to index
        %get3A_308 = arith.constant 0 : index
        %get3A_309 = arith.constant 0 : index
        %get3A_310 = vector.load %arg5[%get3A_307, %get3A_308, %get3A_309] : memref<40x1x128xf32, #tpu.memory_space<vmem>>, vector<1x1x128xf32>
        %get3A_311 = vector.shape_cast %get3A_310 : vector<1x1x128xf32> to vector<1x128xf32>
        %jit3A_312 = arith.constant 0.000000e+00 : f32
        %broadcast_in_dim3A_313 = vector.broadcast %jit3A_312 : f32 to vector<1x128xf32>
        %select_n3A_314 = arith.select %and3A_306, %broadcast_in_dim3A_313, %get3A_311 : vector<1x128xi1>, vector<1x128xf32>
        %swap3A_315 = arith.index_cast %scan3A_237 : i32 to index
        %swap3A_316 = arith.constant 0 : index
        %swap3A_317 = arith.constant 0 : index
        %swap3A_318 = vector.load %arg5[%swap3A_315, %swap3A_316, %swap3A_317] : memref<40x1x128xf32, #tpu.memory_space<vmem>>, vector<1x1x128xf32>
        %swap3A_319 = vector.shape_cast %swap3A_318 : vector<1x1x128xf32> to vector<1x128xf32>
        %swap3A_320 = vector.shape_cast %select_n3A_314 : vector<1x128xf32> to vector<1x1x128xf32>
        tpu.vector_store %arg5[%swap3A_315, %swap3A_316, %swap3A_317], %swap3A_320 {strides = array<i32>} : memref<40x1x128xf32, #tpu.memory_space<vmem>>, vector<1x1x128xf32>,
        %scan3A_321 = arith.constant 2 : i32
        %scan3A_322 = arith.addi %scan3A_156, %scan3A_321 : i32
        %get3A_323 = arith.index_cast %scan3A_322 : i32 to index
        %get3A_324 = arith.constant 0 : index
        %get3A_325 = arith.constant 0 : index
        %get3A_326 = vector.load %arg0[%get3A_323, %get3A_324, %get3A_325] : memref<40x1x128xf32, #tpu.memory_space<vmem>>, vector<1x1x128xf32>
        %get3A_327 = vector.shape_cast %get3A_326 : vector<1x1x128xf32> to vector<1x128xf32>
        %get3A_328 = arith.index_cast %scan3A_322 : i32 to index
        %get3A_329 = arith.constant 0 : index
        %get3A_330 = arith.constant 0 : index
        %get3A_331 = vector.load %arg1[%get3A_328, %get3A_329, %get3A_330] : memref<40x1x128xf32, #tpu.memory_space<vmem>>, vector<1x1x128xf32>
        %get3A_332 = vector.shape_cast %get3A_331 : vector<1x1x128xf32> to vector<1x128xf32>
        %get3A_333 = arith.index_cast %scan3A_322 : i32 to index
        %get3A_334 = arith.constant 0 : index
        %get3A_335 = arith.constant 0 : index
        %get3A_336 = vector.load %arg2[%get3A_333, %get3A_334, %get3A_335] : memref<40x1x128xf32, #tpu.memory_space<vmem>>, vector<1x1x128xf32>
        %get3A_337 = vector.shape_cast %get3A_336 : vector<1x1x128xf32> to vector<1x128xf32>
        %get3A_338 = arith.index_cast %scan3A_322 : i32 to index
        %get3A_339 = arith.constant 0 : index
        %get3A_340 = arith.constant 0 : index
        %get3A_341 = vector.load %arg3[%get3A_338, %get3A_339, %get3A_340] : memref<40x1x128xf32, #tpu.memory_space<vmem>>, vector<1x1x128xf32>
        %get3A_342 = vector.shape_cast %get3A_341 : vector<1x1x128xf32> to vector<1x128xf32>
        %sub3A_343 = arith.subf %get3A_337, %get3A_327 : vector<1x128xf32>
        %max3A_344 = arith.constant 0.000000e+00 : f32
        %max3A_345 = vector.broadcast %max3A_344 : f32 to vector<1x128xf32>
        %max3A_346 = arith.maximumf %sub3A_343, %max3A_345 : vector<1x128xf32>
        %sub3A_347 = arith.subf %get3A_342, %get3A_332 : vector<1x128xf32>
        %max3A_348 = arith.constant 0.000000e+00 : f32
        %max3A_349 = vector.broadcast %max3A_348 : f32 to vector<1x128xf32>
        %max3A_350 = arith.maximumf %sub3A_347, %max3A_349 : vector<1x128xf32>
        %mul3A_351 = arith.mulf %max3A_346, %max3A_350 : vector<1x128xf32>
        %max3A_352 = vector.broadcast %broadcast_in_dim3A_29 : vector<128x1xf32> to vector<128x128xf32>
        %max3A_353 = vector.broadcast %get3A_327 : vector<1x128xf32> to vector<128x128xf32>
        %max3A_354 = arith.maximumf %max3A_352, %max3A_353 : vector<128x128xf32>
        %max3A_355 = vector.broadcast %broadcast_in_dim3A_40 : vector<128x1xf32> to vector<128x128xf32>
        %max3A_356 = vector.broadcast %get3A_332 : vector<1x128xf32> to vector<128x128xf32>
        %max3A_357 = arith.maximumf %max3A_355, %max3A_356 : vector<128x128xf32>
        %min3A_358 = vector.broadcast %broadcast_in_dim3A_51 : vector<128x1xf32> to vector<128x128xf32>
        %min3A_359 = vector.broadcast %get3A_337 : vector<1x128xf32> to vector<128x128xf32>
        %min3A_360 = arith.minimumf %min3A_358, %min3A_359 : vector<128x128xf32>
        %min3A_361 = vector.broadcast %broadcast_in_dim3A_62 : vector<128x1xf32> to vector<128x128xf32>
        %min3A_362 = vector.broadcast %get3A_342 : vector<1x128xf32> to vector<128x128xf32>
        %min3A_363 = arith.minimumf %min3A_361, %min3A_362 : vector<128x128xf32>
        %sub3A_364 = arith.subf %min3A_360, %max3A_354 : vector<128x128xf32>
        %max3A_365 = arith.constant 0.000000e+00 : f32
        %max3A_366 = vector.broadcast %max3A_365 : f32 to vector<128x128xf32>
        %max3A_367 = arith.maximumf %sub3A_364, %max3A_366 : vector<128x128xf32>
        %sub3A_368 = arith.subf %min3A_363, %max3A_357 : vector<128x128xf32>
        %max3A_369 = arith.constant 0.000000e+00 : f32
        %max3A_370 = vector.broadcast %max3A_369 : f32 to vector<128x128xf32>
        %max3A_371 = arith.maximumf %sub3A_368, %max3A_370 : vector<128x128xf32>
        %mul3A_372 = arith.mulf %max3A_367, %max3A_371 : vector<128x128xf32>
        %add3A_373 = vector.broadcast %mul3A_69 : vector<128x1xf32> to vector<128x128xf32>
        %add3A_374 = vector.broadcast %mul3A_351 : vector<1x128xf32> to vector<128x128xf32>
        %add3A_375 = arith.addf %add3A_373, %add3A_374 : vector<128x128xf32>
        %sub3A_376 = arith.subf %add3A_375, %mul3A_372 : vector<128x128xf32>
        %add3A_377 = arith.constant 9.99999997E-7 : f32
        %add3A_378 = vector.broadcast %add3A_377 : f32 to vector<128x128xf32>
        %add3A_379 = arith.addf %sub3A_376, %add3A_378 : vector<128x128xf32>
        %div3A_380 = arith.divf %mul3A_372, %add3A_379 : vector<128x128xf32>
        %mul3A_381 = vector.broadcast %while3A_144#1 : vector<128x1xf32> to vector<128x128xf32>
        %mul3A_382 = arith.mulf %div3A_380, %mul3A_381 : vector<128x128xf32>
        %reduce_max3A_383 = arith.constant dense<0xFF800000> : vector<128xf32>
        %reduce_max3A_384 = vector.multi_reduction <maximumf>, %mul3A_382, %reduce_max3A_383 [0] : vector<128x128xf32> to vector<128xf32>
        %broadcast_in_dim3A_385 = vector.shape_cast %reduce_max3A_384 : vector<128xf32> to vector<1x128xf32>
        %gt3A_386 = arith.cmpi sgt, %scan3A_322, %scan3A_21 : i32
        %gt3A_387 = arith.constant 5.000000e-01 : f32
        %gt3A_388 = vector.broadcast %gt3A_387 : f32 to vector<1x128xf32>
        %gt3A_389 = arith.cmpf ogt, %broadcast_in_dim3A_385, %gt3A_388 : vector<1x128xf32>
        %and3A_390 = vector.broadcast %gt3A_386 : i1 to vector<1x128xi1>
        %and3A_391 = arith.andi %and3A_390, %gt3A_389 : vector<1x128xi1>
        %get3A_392 = arith.index_cast %scan3A_322 : i32 to index
        %get3A_393 = arith.constant 0 : index
        %get3A_394 = arith.constant 0 : index
        %get3A_395 = vector.load %arg5[%get3A_392, %get3A_393, %get3A_394] : memref<40x1x128xf32, #tpu.memory_space<vmem>>, vector<1x1x128xf32>
        %get3A_396 = vector.shape_cast %get3A_395 : vector<1x1x128xf32> to vector<1x128xf32>
        %jit3A_397 = arith.constant 0.000000e+00 : f32
        %broadcast_in_dim3A_398 = vector.broadcast %jit3A_397 : f32 to vector<1x128xf32>
        %select_n3A_399 = arith.select %and3A_391, %broadcast_in_dim3A_398, %get3A_396 : vector<1x128xi1>, vector<1x128xf32>
        %swap3A_400 = arith.index_cast %scan3A_322 : i32 to index
        %swap3A_401 = arith.constant 0 : index
        %swap3A_402 = arith.constant 0 : index
        %swap3A_403 = vector.load %arg5[%swap3A_400, %swap3A_401, %swap3A_402] : memref<40x1x128xf32, #tpu.memory_space<vmem>>, vector<1x1x128xf32>
        %swap3A_404 = vector.shape_cast %swap3A_403 : vector<1x1x128xf32> to vector<1x128xf32>
        %swap3A_405 = vector.shape_cast %select_n3A_399 : vector<1x128xf32> to vector<1x1x128xf32>
        tpu.vector_store %arg5[%swap3A_400, %swap3A_401, %swap3A_402], %swap3A_405 {strides = array<i32>} : memref<40x1x128xf32, #tpu.memory_space<vmem>>, vector<1x1x128xf32>,
        %scan3A_406 = arith.constant 3 : i32
        %scan3A_407 = arith.addi %scan3A_156, %scan3A_406 : i32
        %get3A_408 = arith.index_cast %scan3A_407 : i32 to index
        %get3A_409 = arith.constant 0 : index
        %get3A_410 = arith.constant 0 : index
        %get3A_411 = vector.load %arg0[%get3A_408, %get3A_409, %get3A_410] : memref<40x1x128xf32, #tpu.memory_space<vmem>>, vector<1x1x128xf32>
        %get3A_412 = vector.shape_cast %get3A_411 : vector<1x1x128xf32> to vector<1x128xf32>
        %get3A_413 = arith.index_cast %scan3A_407 : i32 to index
        %get3A_414 = arith.constant 0 : index
        %get3A_415 = arith.constant 0 : index
        %get3A_416 = vector.load %arg1[%get3A_413, %get3A_414, %get3A_415] : memref<40x1x128xf32, #tpu.memory_space<vmem>>, vector<1x1x128xf32>
        %get3A_417 = vector.shape_cast %get3A_416 : vector<1x1x128xf32> to vector<1x128xf32>
        %get3A_418 = arith.index_cast %scan3A_407 : i32 to index
        %get3A_419 = arith.constant 0 : index
        %get3A_420 = arith.constant 0 : index
        %get3A_421 = vector.load %arg2[%get3A_418, %get3A_419, %get3A_420] : memref<40x1x128xf32, #tpu.memory_space<vmem>>, vector<1x1x128xf32>
        %get3A_422 = vector.shape_cast %get3A_421 : vector<1x1x128xf32> to vector<1x128xf32>
        %get3A_423 = arith.index_cast %scan3A_407 : i32 to index
        %get3A_424 = arith.constant 0 : index
        %get3A_425 = arith.constant 0 : index
        %get3A_426 = vector.load %arg3[%get3A_423, %get3A_424, %get3A_425] : memref<40x1x128xf32, #tpu.memory_space<vmem>>, vector<1x1x128xf32>
        %get3A_427 = vector.shape_cast %get3A_426 : vector<1x1x128xf32> to vector<1x128xf32>
        %sub3A_428 = arith.subf %get3A_422, %get3A_412 : vector<1x128xf32>
        %max3A_429 = arith.constant 0.000000e+00 : f32
        %max3A_430 = vector.broadcast %max3A_429 : f32 to vector<1x128xf32>
        %max3A_431 = arith.maximumf %sub3A_428, %max3A_430 : vector<1x128xf32>
        %sub3A_432 = arith.subf %get3A_427, %get3A_417 : vector<1x128xf32>
        %max3A_433 = arith.constant 0.000000e+00 : f32
        %max3A_434 = vector.broadcast %max3A_433 : f32 to vector<1x128xf32>
        %max3A_435 = arith.maximumf %sub3A_432, %max3A_434 : vector<1x128xf32>
        %mul3A_436 = arith.mulf %max3A_431, %max3A_435 : vector<1x128xf32>
        %max3A_437 = vector.broadcast %broadcast_in_dim3A_29 : vector<128x1xf32> to vector<128x128xf32>
        %max3A_438 = vector.broadcast %get3A_412 : vector<1x128xf32> to vector<128x128xf32>
        %max3A_439 = arith.maximumf %max3A_437, %max3A_438 : vector<128x128xf32>
        %max3A_440 = vector.broadcast %broadcast_in_dim3A_40 : vector<128x1xf32> to vector<128x128xf32>
        %max3A_441 = vector.broadcast %get3A_417 : vector<1x128xf32> to vector<128x128xf32>
        %max3A_442 = arith.maximumf %max3A_440, %max3A_441 : vector<128x128xf32>
        %min3A_443 = vector.broadcast %broadcast_in_dim3A_51 : vector<128x1xf32> to vector<128x128xf32>
        %min3A_444 = vector.broadcast %get3A_422 : vector<1x128xf32> to vector<128x128xf32>
        %min3A_445 = arith.minimumf %min3A_443, %min3A_444 : vector<128x128xf32>
        %min3A_446 = vector.broadcast %broadcast_in_dim3A_62 : vector<128x1xf32> to vector<128x128xf32>
        %min3A_447 = vector.broadcast %get3A_427 : vector<1x128xf32> to vector<128x128xf32>
        %min3A_448 = arith.minimumf %min3A_446, %min3A_447 : vector<128x128xf32>
        %sub3A_449 = arith.subf %min3A_445, %max3A_439 : vector<128x128xf32>
        %max3A_450 = arith.constant 0.000000e+00 : f32
        %max3A_451 = vector.broadcast %max3A_450 : f32 to vector<128x128xf32>
        %max3A_452 = arith.maximumf %sub3A_449, %max3A_451 : vector<128x128xf32>
        %sub3A_453 = arith.subf %min3A_448, %max3A_442 : vector<128x128xf32>
        %max3A_454 = arith.constant 0.000000e+00 : f32
        %max3A_455 = vector.broadcast %max3A_454 : f32 to vector<128x128xf32>
        %max3A_456 = arith.maximumf %sub3A_453, %max3A_455 : vector<128x128xf32>
        %mul3A_457 = arith.mulf %max3A_452, %max3A_456 : vector<128x128xf32>
        %add3A_458 = vector.broadcast %mul3A_69 : vector<128x1xf32> to vector<128x128xf32>
        %add3A_459 = vector.broadcast %mul3A_436 : vector<1x128xf32> to vector<128x128xf32>
        %add3A_460 = arith.addf %add3A_458, %add3A_459 : vector<128x128xf32>
        %sub3A_461 = arith.subf %add3A_460, %mul3A_457 : vector<128x128xf32>
        %add3A_462 = arith.constant 9.99999997E-7 : f32
        %add3A_463 = vector.broadcast %add3A_462 : f32 to vector<128x128xf32>
        %add3A_464 = arith.addf %sub3A_461, %add3A_463 : vector<128x128xf32>
        %div3A_465 = arith.divf %mul3A_457, %add3A_464 : vector<128x128xf32>
        %mul3A_466 = vector.broadcast %while3A_144#1 : vector<128x1xf32> to vector<128x128xf32>
        %mul3A_467 = arith.mulf %div3A_465, %mul3A_466 : vector<128x128xf32>
        %reduce_max3A_468 = arith.constant dense<0xFF800000> : vector<128xf32>
        %reduce_max3A_469 = vector.multi_reduction <maximumf>, %mul3A_467, %reduce_max3A_468 [0] : vector<128x128xf32> to vector<128xf32>
        %broadcast_in_dim3A_470 = vector.shape_cast %reduce_max3A_469 : vector<128xf32> to vector<1x128xf32>
        %gt3A_471 = arith.cmpi sgt, %scan3A_407, %scan3A_21 : i32
        %gt3A_472 = arith.constant 5.000000e-01 : f32
        %gt3A_473 = vector.broadcast %gt3A_472 : f32 to vector<1x128xf32>
        %gt3A_474 = arith.cmpf ogt, %broadcast_in_dim3A_470, %gt3A_473 : vector<1x128xf32>
        %and3A_475 = vector.broadcast %gt3A_471 : i1 to vector<1x128xi1>
        %and3A_476 = arith.andi %and3A_475, %gt3A_474 : vector<1x128xi1>
        %get3A_477 = arith.index_cast %scan3A_407 : i32 to index
        %get3A_478 = arith.constant 0 : index
        %get3A_479 = arith.constant 0 : index
        %get3A_480 = vector.load %arg5[%get3A_477, %get3A_478, %get3A_479] : memref<40x1x128xf32, #tpu.memory_space<vmem>>, vector<1x1x128xf32>
        %get3A_481 = vector.shape_cast %get3A_480 : vector<1x1x128xf32> to vector<1x128xf32>
        %jit3A_482 = arith.constant 0.000000e+00 : f32
        %broadcast_in_dim3A_483 = vector.broadcast %jit3A_482 : f32 to vector<1x128xf32>
        %select_n3A_484 = arith.select %and3A_476, %broadcast_in_dim3A_483, %get3A_481 : vector<1x128xi1>, vector<1x128xf32>
        %swap3A_485 = arith.index_cast %scan3A_407 : i32 to index
        %swap3A_486 = arith.constant 0 : index
        %swap3A_487 = arith.constant 0 : index
        %swap3A_488 = vector.load %arg5[%swap3A_485, %swap3A_486, %swap3A_487] : memref<40x1x128xf32, #tpu.memory_space<vmem>>, vector<1x1x128xf32>
        %swap3A_489 = vector.shape_cast %swap3A_488 : vector<1x1x128xf32> to vector<1x128xf32>
        %swap3A_490 = vector.shape_cast %select_n3A_484 : vector<1x128xf32> to vector<1x1x128xf32>
        tpu.vector_store %arg5[%swap3A_485, %swap3A_486, %swap3A_487], %swap3A_490 {strides = array<i32>} : memref<40x1x128xf32, #tpu.memory_space<vmem>>, vector<1x1x128xf32>,
        %scan3A_491 = arith.constant 4 : i32
        %scan3A_492 = arith.addi %scan3A_156, %scan3A_491 : i32
        %get3A_493 = arith.index_cast %scan3A_492 : i32 to index
        %get3A_494 = arith.constant 0 : index
        %get3A_495 = arith.constant 0 : index
        %get3A_496 = vector.load %arg0[%get3A_493, %get3A_494, %get3A_495] : memref<40x1x128xf32, #tpu.memory_space<vmem>>, vector<1x1x128xf32>
        %get3A_497 = vector.shape_cast %get3A_496 : vector<1x1x128xf32> to vector<1x128xf32>
        %get3A_498 = arith.index_cast %scan3A_492 : i32 to index
        %get3A_499 = arith.constant 0 : index
        %get3A_500 = arith.constant 0 : index
        %get3A_501 = vector.load %arg1[%get3A_498, %get3A_499, %get3A_500] : memref<40x1x128xf32, #tpu.memory_space<vmem>>, vector<1x1x128xf32>
        %get3A_502 = vector.shape_cast %get3A_501 : vector<1x1x128xf32> to vector<1x128xf32>
        %get3A_503 = arith.index_cast %scan3A_492 : i32 to index
        %get3A_504 = arith.constant 0 : index
        %get3A_505 = arith.constant 0 : index
        %get3A_506 = vector.load %arg2[%get3A_503, %get3A_504, %get3A_505] : memref<40x1x128xf32, #tpu.memory_space<vmem>>, vector<1x1x128xf32>
        %get3A_507 = vector.shape_cast %get3A_506 : vector<1x1x128xf32> to vector<1x128xf32>
        %get3A_508 = arith.index_cast %scan3A_492 : i32 to index
        %get3A_509 = arith.constant 0 : index
        %get3A_510 = arith.constant 0 : index
        %get3A_511 = vector.load %arg3[%get3A_508, %get3A_509, %get3A_510] : memref<40x1x128xf32, #tpu.memory_space<vmem>>, vector<1x1x128xf32>
        %get3A_512 = vector.shape_cast %get3A_511 : vector<1x1x128xf32> to vector<1x128xf32>
        %sub3A_513 = arith.subf %get3A_507, %get3A_497 : vector<1x128xf32>
        %max3A_514 = arith.constant 0.000000e+00 : f32
        %max3A_515 = vector.broadcast %max3A_514 : f32 to vector<1x128xf32>
        %max3A_516 = arith.maximumf %sub3A_513, %max3A_515 : vector<1x128xf32>
        %sub3A_517 = arith.subf %get3A_512, %get3A_502 : vector<1x128xf32>
        %max3A_518 = arith.constant 0.000000e+00 : f32
        %max3A_519 = vector.broadcast %max3A_518 : f32 to vector<1x128xf32>
        %max3A_520 = arith.maximumf %sub3A_517, %max3A_519 : vector<1x128xf32>
        %mul3A_521 = arith.mulf %max3A_516, %max3A_520 : vector<1x128xf32>
        %max3A_522 = vector.broadcast %broadcast_in_dim3A_29 : vector<128x1xf32> to vector<128x128xf32>
        %max3A_523 = vector.broadcast %get3A_497 : vector<1x128xf32> to vector<128x128xf32>
        %max3A_524 = arith.maximumf %max3A_522, %max3A_523 : vector<128x128xf32>
        %max3A_525 = vector.broadcast %broadcast_in_dim3A_40 : vector<128x1xf32> to vector<128x128xf32>
        %max3A_526 = vector.broadcast %get3A_502 : vector<1x128xf32> to vector<128x128xf32>
        %max3A_527 = arith.maximumf %max3A_525, %max3A_526 : vector<128x128xf32>
        %min3A_528 = vector.broadcast %broadcast_in_dim3A_51 : vector<128x1xf32> to vector<128x128xf32>
        %min3A_529 = vector.broadcast %get3A_507 : vector<1x128xf32> to vector<128x128xf32>
        %min3A_530 = arith.minimumf %min3A_528, %min3A_529 : vector<128x128xf32>
        %min3A_531 = vector.broadcast %broadcast_in_dim3A_62 : vector<128x1xf32> to vector<128x128xf32>
        %min3A_532 = vector.broadcast %get3A_512 : vector<1x128xf32> to vector<128x128xf32>
        %min3A_533 = arith.minimumf %min3A_531, %min3A_532 : vector<128x128xf32>
        %sub3A_534 = arith.subf %min3A_530, %max3A_524 : vector<128x128xf32>
        %max3A_535 = arith.constant 0.000000e+00 : f32
        %max3A_536 = vector.broadcast %max3A_535 : f32 to vector<128x128xf32>
        %max3A_537 = arith.maximumf %sub3A_534, %max3A_536 : vector<128x128xf32>
        %sub3A_538 = arith.subf %min3A_533, %max3A_527 : vector<128x128xf32>
        %max3A_539 = arith.constant 0.000000e+00 : f32
        %max3A_540 = vector.broadcast %max3A_539 : f32 to vector<128x128xf32>
        %max3A_541 = arith.maximumf %sub3A_538, %max3A_540 : vector<128x128xf32>
        %mul3A_542 = arith.mulf %max3A_537, %max3A_541 : vector<128x128xf32>
        %add3A_543 = vector.broadcast %mul3A_69 : vector<128x1xf32> to vector<128x128xf32>
        %add3A_544 = vector.broadcast %mul3A_521 : vector<1x128xf32> to vector<128x128xf32>
        %add3A_545 = arith.addf %add3A_543, %add3A_544 : vector<128x128xf32>
        %sub3A_546 = arith.subf %add3A_545, %mul3A_542 : vector<128x128xf32>
        %add3A_547 = arith.constant 9.99999997E-7 : f32
        %add3A_548 = vector.broadcast %add3A_547 : f32 to vector<128x128xf32>
        %add3A_549 = arith.addf %sub3A_546, %add3A_548 : vector<128x128xf32>
        %div3A_550 = arith.divf %mul3A_542, %add3A_549 : vector<128x128xf32>
        %mul3A_551 = vector.broadcast %while3A_144#1 : vector<128x1xf32> to vector<128x128xf32>
        %mul3A_552 = arith.mulf %div3A_550, %mul3A_551 : vector<128x128xf32>
        %reduce_max3A_553 = arith.constant dense<0xFF800000> : vector<128xf32>
        %reduce_max3A_554 = vector.multi_reduction <maximumf>, %mul3A_552, %reduce_max3A_553 [0] : vector<128x128xf32> to vector<128xf32>
        %broadcast_in_dim3A_555 = vector.shape_cast %reduce_max3A_554 : vector<128xf32> to vector<1x128xf32>
        %gt3A_556 = arith.cmpi sgt, %scan3A_492, %scan3A_21 : i32
        %gt3A_557 = arith.constant 5.000000e-01 : f32
        %gt3A_558 = vector.broadcast %gt3A_557 : f32 to vector<1x128xf32>
        %gt3A_559 = arith.cmpf ogt, %broadcast_in_dim3A_555, %gt3A_558 : vector<1x128xf32>
        %and3A_560 = vector.broadcast %gt3A_556 : i1 to vector<1x128xi1>
        %and3A_561 = arith.andi %and3A_560, %gt3A_559 : vector<1x128xi1>
        %get3A_562 = arith.index_cast %scan3A_492 : i32 to index
        %get3A_563 = arith.constant 0 : index
        %get3A_564 = arith.constant 0 : index
        %get3A_565 = vector.load %arg5[%get3A_562, %get3A_563, %get3A_564] : memref<40x1x128xf32, #tpu.memory_space<vmem>>, vector<1x1x128xf32>
        %get3A_566 = vector.shape_cast %get3A_565 : vector<1x1x128xf32> to vector<1x128xf32>
        %jit3A_567 = arith.constant 0.000000e+00 : f32
        %broadcast_in_dim3A_568 = vector.broadcast %jit3A_567 : f32 to vector<1x128xf32>
        %select_n3A_569 = arith.select %and3A_561, %broadcast_in_dim3A_568, %get3A_566 : vector<1x128xi1>, vector<1x128xf32>
        %swap3A_570 = arith.index_cast %scan3A_492 : i32 to index
        %swap3A_571 = arith.constant 0 : index
        %swap3A_572 = arith.constant 0 : index
        %swap3A_573 = vector.load %arg5[%swap3A_570, %swap3A_571, %swap3A_572] : memref<40x1x128xf32, #tpu.memory_space<vmem>>, vector<1x1x128xf32>
        %swap3A_574 = vector.shape_cast %swap3A_573 : vector<1x1x128xf32> to vector<1x128xf32>
        %swap3A_575 = vector.shape_cast %select_n3A_569 : vector<1x128xf32> to vector<1x1x128xf32>
        tpu.vector_store %arg5[%swap3A_570, %swap3A_571, %swap3A_572], %swap3A_575 {strides = array<i32>} : memref<40x1x128xf32, #tpu.memory_space<vmem>>, vector<1x1x128xf32>,
        %scan3A_576 = arith.constant 5 : i32
        %scan3A_577 = arith.addi %scan3A_156, %scan3A_576 : i32
        %get3A_578 = arith.index_cast %scan3A_577 : i32 to index
        %get3A_579 = arith.constant 0 : index
        %get3A_580 = arith.constant 0 : index
        %get3A_581 = vector.load %arg0[%get3A_578, %get3A_579, %get3A_580] : memref<40x1x128xf32, #tpu.memory_space<vmem>>, vector<1x1x128xf32>
        %get3A_582 = vector.shape_cast %get3A_581 : vector<1x1x128xf32> to vector<1x128xf32>
        %get3A_583 = arith.index_cast %scan3A_577 : i32 to index
        %get3A_584 = arith.constant 0 : index
        %get3A_585 = arith.constant 0 : index
        %get3A_586 = vector.load %arg1[%get3A_583, %get3A_584, %get3A_585] : memref<40x1x128xf32, #tpu.memory_space<vmem>>, vector<1x1x128xf32>
        %get3A_587 = vector.shape_cast %get3A_586 : vector<1x1x128xf32> to vector<1x128xf32>
        %get3A_588 = arith.index_cast %scan3A_577 : i32 to index
        %get3A_589 = arith.constant 0 : index
        %get3A_590 = arith.constant 0 : index
        %get3A_591 = vector.load %arg2[%get3A_588, %get3A_589, %get3A_590] : memref<40x1x128xf32, #tpu.memory_space<vmem>>, vector<1x1x128xf32>
        %get3A_592 = vector.shape_cast %get3A_591 : vector<1x1x128xf32> to vector<1x128xf32>
        %get3A_593 = arith.index_cast %scan3A_577 : i32 to index
        %get3A_594 = arith.constant 0 : index
        %get3A_595 = arith.constant 0 : index
        %get3A_596 = vector.load %arg3[%get3A_593, %get3A_594, %get3A_595] : memref<40x1x128xf32, #tpu.memory_space<vmem>>, vector<1x1x128xf32>
        %get3A_597 = vector.shape_cast %get3A_596 : vector<1x1x128xf32> to vector<1x128xf32>
        %sub3A_598 = arith.subf %get3A_592, %get3A_582 : vector<1x128xf32>
        %max3A_599 = arith.constant 0.000000e+00 : f32
        %max3A_600 = vector.broadcast %max3A_599 : f32 to vector<1x128xf32>
        %max3A_601 = arith.maximumf %sub3A_598, %max3A_600 : vector<1x128xf32>
        %sub3A_602 = arith.subf %get3A_597, %get3A_587 : vector<1x128xf32>
        %max3A_603 = arith.constant 0.000000e+00 : f32
        %max3A_604 = vector.broadcast %max3A_603 : f32 to vector<1x128xf32>
        %max3A_605 = arith.maximumf %sub3A_602, %max3A_604 : vector<1x128xf32>
        %mul3A_606 = arith.mulf %max3A_601, %max3A_605 : vector<1x128xf32>
        %max3A_607 = vector.broadcast %broadcast_in_dim3A_29 : vector<128x1xf32> to vector<128x128xf32>
        %max3A_608 = vector.broadcast %get3A_582 : vector<1x128xf32> to vector<128x128xf32>
        %max3A_609 = arith.maximumf %max3A_607, %max3A_608 : vector<128x128xf32>
        %max3A_610 = vector.broadcast %broadcast_in_dim3A_40 : vector<128x1xf32> to vector<128x128xf32>
        %max3A_611 = vector.broadcast %get3A_587 : vector<1x128xf32> to vector<128x128xf32>
        %max3A_612 = arith.maximumf %max3A_610, %max3A_611 : vector<128x128xf32>
        %min3A_613 = vector.broadcast %broadcast_in_dim3A_51 : vector<128x1xf32> to vector<128x128xf32>
        %min3A_614 = vector.broadcast %get3A_592 : vector<1x128xf32> to vector<128x128xf32>
        %min3A_615 = arith.minimumf %min3A_613, %min3A_614 : vector<128x128xf32>
        %min3A_616 = vector.broadcast %broadcast_in_dim3A_62 : vector<128x1xf32> to vector<128x128xf32>
        %min3A_617 = vector.broadcast %get3A_597 : vector<1x128xf32> to vector<128x128xf32>
        %min3A_618 = arith.minimumf %min3A_616, %min3A_617 : vector<128x128xf32>
        %sub3A_619 = arith.subf %min3A_615, %max3A_609 : vector<128x128xf32>
        %max3A_620 = arith.constant 0.000000e+00 : f32
        %max3A_621 = vector.broadcast %max3A_620 : f32 to vector<128x128xf32>
        %max3A_622 = arith.maximumf %sub3A_619, %max3A_621 : vector<128x128xf32>
        %sub3A_623 = arith.subf %min3A_618, %max3A_612 : vector<128x128xf32>
        %max3A_624 = arith.constant 0.000000e+00 : f32
        %max3A_625 = vector.broadcast %max3A_624 : f32 to vector<128x128xf32>
        %max3A_626 = arith.maximumf %sub3A_623, %max3A_625 : vector<128x128xf32>
        %mul3A_627 = arith.mulf %max3A_622, %max3A_626 : vector<128x128xf32>
        %add3A_628 = vector.broadcast %mul3A_69 : vector<128x1xf32> to vector<128x128xf32>
        %add3A_629 = vector.broadcast %mul3A_606 : vector<1x128xf32> to vector<128x128xf32>
        %add3A_630 = arith.addf %add3A_628, %add3A_629 : vector<128x128xf32>
        %sub3A_631 = arith.subf %add3A_630, %mul3A_627 : vector<128x128xf32>
        %add3A_632 = arith.constant 9.99999997E-7 : f32
        %add3A_633 = vector.broadcast %add3A_632 : f32 to vector<128x128xf32>
        %add3A_634 = arith.addf %sub3A_631, %add3A_633 : vector<128x128xf32>
        %div3A_635 = arith.divf %mul3A_627, %add3A_634 : vector<128x128xf32>
        %mul3A_636 = vector.broadcast %while3A_144#1 : vector<128x1xf32> to vector<128x128xf32>
        %mul3A_637 = arith.mulf %div3A_635, %mul3A_636 : vector<128x128xf32>
        %reduce_max3A_638 = arith.constant dense<0xFF800000> : vector<128xf32>
        %reduce_max3A_639 = vector.multi_reduction <maximumf>, %mul3A_637, %reduce_max3A_638 [0] : vector<128x128xf32> to vector<128xf32>
        %broadcast_in_dim3A_640 = vector.shape_cast %reduce_max3A_639 : vector<128xf32> to vector<1x128xf32>
        %gt3A_641 = arith.cmpi sgt, %scan3A_577, %scan3A_21 : i32
        %gt3A_642 = arith.constant 5.000000e-01 : f32
        %gt3A_643 = vector.broadcast %gt3A_642 : f32 to vector<1x128xf32>
        %gt3A_644 = arith.cmpf ogt, %broadcast_in_dim3A_640, %gt3A_643 : vector<1x128xf32>
        %and3A_645 = vector.broadcast %gt3A_641 : i1 to vector<1x128xi1>
        %and3A_646 = arith.andi %and3A_645, %gt3A_644 : vector<1x128xi1>
        %get3A_647 = arith.index_cast %scan3A_577 : i32 to index
        %get3A_648 = arith.constant 0 : index
        %get3A_649 = arith.constant 0 : index
        %get3A_650 = vector.load %arg5[%get3A_647, %get3A_648, %get3A_649] : memref<40x1x128xf32, #tpu.memory_space<vmem>>, vector<1x1x128xf32>
        %get3A_651 = vector.shape_cast %get3A_650 : vector<1x1x128xf32> to vector<1x128xf32>
        %jit3A_652 = arith.constant 0.000000e+00 : f32
        %broadcast_in_dim3A_653 = vector.broadcast %jit3A_652 : f32 to vector<1x128xf32>
        %select_n3A_654 = arith.select %and3A_646, %broadcast_in_dim3A_653, %get3A_651 : vector<1x128xi1>, vector<1x128xf32>
        %swap3A_655 = arith.index_cast %scan3A_577 : i32 to index
        %swap3A_656 = arith.constant 0 : index
        %swap3A_657 = arith.constant 0 : index
        %swap3A_658 = vector.load %arg5[%swap3A_655, %swap3A_656, %swap3A_657] : memref<40x1x128xf32, #tpu.memory_space<vmem>>, vector<1x1x128xf32>
        %swap3A_659 = vector.shape_cast %swap3A_658 : vector<1x1x128xf32> to vector<1x128xf32>
        %swap3A_660 = vector.shape_cast %select_n3A_654 : vector<1x128xf32> to vector<1x1x128xf32>
        tpu.vector_store %arg5[%swap3A_655, %swap3A_656, %swap3A_657], %swap3A_660 {strides = array<i32>} : memref<40x1x128xf32, #tpu.memory_space<vmem>>, vector<1x1x128xf32>,
        %scan3A_661 = arith.constant 6 : i32
        %scan3A_662 = arith.addi %scan3A_156, %scan3A_661 : i32
        %get3A_663 = arith.index_cast %scan3A_662 : i32 to index
        %get3A_664 = arith.constant 0 : index
        %get3A_665 = arith.constant 0 : index
        %get3A_666 = vector.load %arg0[%get3A_663, %get3A_664, %get3A_665] : memref<40x1x128xf32, #tpu.memory_space<vmem>>, vector<1x1x128xf32>
        %get3A_667 = vector.shape_cast %get3A_666 : vector<1x1x128xf32> to vector<1x128xf32>
        %get3A_668 = arith.index_cast %scan3A_662 : i32 to index
        %get3A_669 = arith.constant 0 : index
        %get3A_670 = arith.constant 0 : index
        %get3A_671 = vector.load %arg1[%get3A_668, %get3A_669, %get3A_670] : memref<40x1x128xf32, #tpu.memory_space<vmem>>, vector<1x1x128xf32>
        %get3A_672 = vector.shape_cast %get3A_671 : vector<1x1x128xf32> to vector<1x128xf32>
        %get3A_673 = arith.index_cast %scan3A_662 : i32 to index
        %get3A_674 = arith.constant 0 : index
        %get3A_675 = arith.constant 0 : index
        %get3A_676 = vector.load %arg2[%get3A_673, %get3A_674, %get3A_675] : memref<40x1x128xf32, #tpu.memory_space<vmem>>, vector<1x1x128xf32>
        %get3A_677 = vector.shape_cast %get3A_676 : vector<1x1x128xf32> to vector<1x128xf32>
        %get3A_678 = arith.index_cast %scan3A_662 : i32 to index
        %get3A_679 = arith.constant 0 : index
        %get3A_680 = arith.constant 0 : index
        %get3A_681 = vector.load %arg3[%get3A_678, %get3A_679, %get3A_680] : memref<40x1x128xf32, #tpu.memory_space<vmem>>, vector<1x1x128xf32>
        %get3A_682 = vector.shape_cast %get3A_681 : vector<1x1x128xf32> to vector<1x128xf32>
        %sub3A_683 = arith.subf %get3A_677, %get3A_667 : vector<1x128xf32>
        %max3A_684 = arith.constant 0.000000e+00 : f32
        %max3A_685 = vector.broadcast %max3A_684 : f32 to vector<1x128xf32>
        %max3A_686 = arith.maximumf %sub3A_683, %max3A_685 : vector<1x128xf32>
        %sub3A_687 = arith.subf %get3A_682, %get3A_672 : vector<1x128xf32>
        %max3A_688 = arith.constant 0.000000e+00 : f32
        %max3A_689 = vector.broadcast %max3A_688 : f32 to vector<1x128xf32>
        %max3A_690 = arith.maximumf %sub3A_687, %max3A_689 : vector<1x128xf32>
        %mul3A_691 = arith.mulf %max3A_686, %max3A_690 : vector<1x128xf32>
        %max3A_692 = vector.broadcast %broadcast_in_dim3A_29 : vector<128x1xf32> to vector<128x128xf32>
        %max3A_693 = vector.broadcast %get3A_667 : vector<1x128xf32> to vector<128x128xf32>
        %max3A_694 = arith.maximumf %max3A_692, %max3A_693 : vector<128x128xf32>
        %max3A_695 = vector.broadcast %broadcast_in_dim3A_40 : vector<128x1xf32> to vector<128x128xf32>
        %max3A_696 = vector.broadcast %get3A_672 : vector<1x128xf32> to vector<128x128xf32>
        %max3A_697 = arith.maximumf %max3A_695, %max3A_696 : vector<128x128xf32>
        %min3A_698 = vector.broadcast %broadcast_in_dim3A_51 : vector<128x1xf32> to vector<128x128xf32>
        %min3A_699 = vector.broadcast %get3A_677 : vector<1x128xf32> to vector<128x128xf32>
        %min3A_700 = arith.minimumf %min3A_698, %min3A_699 : vector<128x128xf32>
        %min3A_701 = vector.broadcast %broadcast_in_dim3A_62 : vector<128x1xf32> to vector<128x128xf32>
        %min3A_702 = vector.broadcast %get3A_682 : vector<1x128xf32> to vector<128x128xf32>
        %min3A_703 = arith.minimumf %min3A_701, %min3A_702 : vector<128x128xf32>
        %sub3A_704 = arith.subf %min3A_700, %max3A_694 : vector<128x128xf32>
        %max3A_705 = arith.constant 0.000000e+00 : f32
        %max3A_706 = vector.broadcast %max3A_705 : f32 to vector<128x128xf32>
        %max3A_707 = arith.maximumf %sub3A_704, %max3A_706 : vector<128x128xf32>
        %sub3A_708 = arith.subf %min3A_703, %max3A_697 : vector<128x128xf32>
        %max3A_709 = arith.constant 0.000000e+00 : f32
        %max3A_710 = vector.broadcast %max3A_709 : f32 to vector<128x128xf32>
        %max3A_711 = arith.maximumf %sub3A_708, %max3A_710 : vector<128x128xf32>
        %mul3A_712 = arith.mulf %max3A_707, %max3A_711 : vector<128x128xf32>
        %add3A_713 = vector.broadcast %mul3A_69 : vector<128x1xf32> to vector<128x128xf32>
        %add3A_714 = vector.broadcast %mul3A_691 : vector<1x128xf32> to vector<128x128xf32>
        %add3A_715 = arith.addf %add3A_713, %add3A_714 : vector<128x128xf32>
        %sub3A_716 = arith.subf %add3A_715, %mul3A_712 : vector<128x128xf32>
        %add3A_717 = arith.constant 9.99999997E-7 : f32
        %add3A_718 = vector.broadcast %add3A_717 : f32 to vector<128x128xf32>
        %add3A_719 = arith.addf %sub3A_716, %add3A_718 : vector<128x128xf32>
        %div3A_720 = arith.divf %mul3A_712, %add3A_719 : vector<128x128xf32>
        %mul3A_721 = vector.broadcast %while3A_144#1 : vector<128x1xf32> to vector<128x128xf32>
        %mul3A_722 = arith.mulf %div3A_720, %mul3A_721 : vector<128x128xf32>
        %reduce_max3A_723 = arith.constant dense<0xFF800000> : vector<128xf32>
        %reduce_max3A_724 = vector.multi_reduction <maximumf>, %mul3A_722, %reduce_max3A_723 [0] : vector<128x128xf32> to vector<128xf32>
        %broadcast_in_dim3A_725 = vector.shape_cast %reduce_max3A_724 : vector<128xf32> to vector<1x128xf32>
        %gt3A_726 = arith.cmpi sgt, %scan3A_662, %scan3A_21 : i32
        %gt3A_727 = arith.constant 5.000000e-01 : f32
        %gt3A_728 = vector.broadcast %gt3A_727 : f32 to vector<1x128xf32>
        %gt3A_729 = arith.cmpf ogt, %broadcast_in_dim3A_725, %gt3A_728 : vector<1x128xf32>
        %and3A_730 = vector.broadcast %gt3A_726 : i1 to vector<1x128xi1>
        %and3A_731 = arith.andi %and3A_730, %gt3A_729 : vector<1x128xi1>
        %get3A_732 = arith.index_cast %scan3A_662 : i32 to index
        %get3A_733 = arith.constant 0 : index
        %get3A_734 = arith.constant 0 : index
        %get3A_735 = vector.load %arg5[%get3A_732, %get3A_733, %get3A_734] : memref<40x1x128xf32, #tpu.memory_space<vmem>>, vector<1x1x128xf32>
        %get3A_736 = vector.shape_cast %get3A_735 : vector<1x1x128xf32> to vector<1x128xf32>
        %jit3A_737 = arith.constant 0.000000e+00 : f32
        %broadcast_in_dim3A_738 = vector.broadcast %jit3A_737 : f32 to vector<1x128xf32>
        %select_n3A_739 = arith.select %and3A_731, %broadcast_in_dim3A_738, %get3A_736 : vector<1x128xi1>, vector<1x128xf32>
        %swap3A_740 = arith.index_cast %scan3A_662 : i32 to index
        %swap3A_741 = arith.constant 0 : index
        %swap3A_742 = arith.constant 0 : index
        %swap3A_743 = vector.load %arg5[%swap3A_740, %swap3A_741, %swap3A_742] : memref<40x1x128xf32, #tpu.memory_space<vmem>>, vector<1x1x128xf32>
        %swap3A_744 = vector.shape_cast %swap3A_743 : vector<1x1x128xf32> to vector<1x128xf32>
        %swap3A_745 = vector.shape_cast %select_n3A_739 : vector<1x128xf32> to vector<1x1x128xf32>
        tpu.vector_store %arg5[%swap3A_740, %swap3A_741, %swap3A_742], %swap3A_745 {strides = array<i32>} : memref<40x1x128xf32, #tpu.memory_space<vmem>>, vector<1x1x128xf32>,
        %scan3A_746 = arith.constant 7 : i32
        %scan3A_747 = arith.addi %scan3A_156, %scan3A_746 : i32
        %get3A_748 = arith.index_cast %scan3A_747 : i32 to index
        %get3A_749 = arith.constant 0 : index
        %get3A_750 = arith.constant 0 : index
        %get3A_751 = vector.load %arg0[%get3A_748, %get3A_749, %get3A_750] : memref<40x1x128xf32, #tpu.memory_space<vmem>>, vector<1x1x128xf32>
        %get3A_752 = vector.shape_cast %get3A_751 : vector<1x1x128xf32> to vector<1x128xf32>
        %get3A_753 = arith.index_cast %scan3A_747 : i32 to index
        %get3A_754 = arith.constant 0 : index
        %get3A_755 = arith.constant 0 : index
        %get3A_756 = vector.load %arg1[%get3A_753, %get3A_754, %get3A_755] : memref<40x1x128xf32, #tpu.memory_space<vmem>>, vector<1x1x128xf32>
        %get3A_757 = vector.shape_cast %get3A_756 : vector<1x1x128xf32> to vector<1x128xf32>
        %get3A_758 = arith.index_cast %scan3A_747 : i32 to index
        %get3A_759 = arith.constant 0 : index
        %get3A_760 = arith.constant 0 : index
        %get3A_761 = vector.load %arg2[%get3A_758, %get3A_759, %get3A_760] : memref<40x1x128xf32, #tpu.memory_space<vmem>>, vector<1x1x128xf32>
        %get3A_762 = vector.shape_cast %get3A_761 : vector<1x1x128xf32> to vector<1x128xf32>
        %get3A_763 = arith.index_cast %scan3A_747 : i32 to index
        %get3A_764 = arith.constant 0 : index
        %get3A_765 = arith.constant 0 : index
        %get3A_766 = vector.load %arg3[%get3A_763, %get3A_764, %get3A_765] : memref<40x1x128xf32, #tpu.memory_space<vmem>>, vector<1x1x128xf32>
        %get3A_767 = vector.shape_cast %get3A_766 : vector<1x1x128xf32> to vector<1x128xf32>
        %sub3A_768 = arith.subf %get3A_762, %get3A_752 : vector<1x128xf32>
        %max3A_769 = arith.constant 0.000000e+00 : f32
        %max3A_770 = vector.broadcast %max3A_769 : f32 to vector<1x128xf32>
        %max3A_771 = arith.maximumf %sub3A_768, %max3A_770 : vector<1x128xf32>
        %sub3A_772 = arith.subf %get3A_767, %get3A_757 : vector<1x128xf32>
        %max3A_773 = arith.constant 0.000000e+00 : f32
        %max3A_774 = vector.broadcast %max3A_773 : f32 to vector<1x128xf32>
        %max3A_775 = arith.maximumf %sub3A_772, %max3A_774 : vector<1x128xf32>
        %mul3A_776 = arith.mulf %max3A_771, %max3A_775 : vector<1x128xf32>
        %max3A_777 = vector.broadcast %broadcast_in_dim3A_29 : vector<128x1xf32> to vector<128x128xf32>
        %max3A_778 = vector.broadcast %get3A_752 : vector<1x128xf32> to vector<128x128xf32>
        %max3A_779 = arith.maximumf %max3A_777, %max3A_778 : vector<128x128xf32>
        %max3A_780 = vector.broadcast %broadcast_in_dim3A_40 : vector<128x1xf32> to vector<128x128xf32>
        %max3A_781 = vector.broadcast %get3A_757 : vector<1x128xf32> to vector<128x128xf32>
        %max3A_782 = arith.maximumf %max3A_780, %max3A_781 : vector<128x128xf32>
        %min3A_783 = vector.broadcast %broadcast_in_dim3A_51 : vector<128x1xf32> to vector<128x128xf32>
        %min3A_784 = vector.broadcast %get3A_762 : vector<1x128xf32> to vector<128x128xf32>
        %min3A_785 = arith.minimumf %min3A_783, %min3A_784 : vector<128x128xf32>
        %min3A_786 = vector.broadcast %broadcast_in_dim3A_62 : vector<128x1xf32> to vector<128x128xf32>
        %min3A_787 = vector.broadcast %get3A_767 : vector<1x128xf32> to vector<128x128xf32>
        %min3A_788 = arith.minimumf %min3A_786, %min3A_787 : vector<128x128xf32>
        %sub3A_789 = arith.subf %min3A_785, %max3A_779 : vector<128x128xf32>
        %max3A_790 = arith.constant 0.000000e+00 : f32
        %max3A_791 = vector.broadcast %max3A_790 : f32 to vector<128x128xf32>
        %max3A_792 = arith.maximumf %sub3A_789, %max3A_791 : vector<128x128xf32>
        %sub3A_793 = arith.subf %min3A_788, %max3A_782 : vector<128x128xf32>
        %max3A_794 = arith.constant 0.000000e+00 : f32
        %max3A_795 = vector.broadcast %max3A_794 : f32 to vector<128x128xf32>
        %max3A_796 = arith.maximumf %sub3A_793, %max3A_795 : vector<128x128xf32>
        %mul3A_797 = arith.mulf %max3A_792, %max3A_796 : vector<128x128xf32>
        %add3A_798 = vector.broadcast %mul3A_69 : vector<128x1xf32> to vector<128x128xf32>
        %add3A_799 = vector.broadcast %mul3A_776 : vector<1x128xf32> to vector<128x128xf32>
        %add3A_800 = arith.addf %add3A_798, %add3A_799 : vector<128x128xf32>
        %sub3A_801 = arith.subf %add3A_800, %mul3A_797 : vector<128x128xf32>
        %add3A_802 = arith.constant 9.99999997E-7 : f32
        %add3A_803 = vector.broadcast %add3A_802 : f32 to vector<128x128xf32>
        %add3A_804 = arith.addf %sub3A_801, %add3A_803 : vector<128x128xf32>
        %div3A_805 = arith.divf %mul3A_797, %add3A_804 : vector<128x128xf32>
        %mul3A_806 = vector.broadcast %while3A_144#1 : vector<128x1xf32> to vector<128x128xf32>
        %mul3A_807 = arith.mulf %div3A_805, %mul3A_806 : vector<128x128xf32>
        %reduce_max3A_808 = arith.constant dense<0xFF800000> : vector<128xf32>
        %reduce_max3A_809 = vector.multi_reduction <maximumf>, %mul3A_807, %reduce_max3A_808 [0] : vector<128x128xf32> to vector<128xf32>
        %broadcast_in_dim3A_810 = vector.shape_cast %reduce_max3A_809 : vector<128xf32> to vector<1x128xf32>
        %gt3A_811 = arith.cmpi sgt, %scan3A_747, %scan3A_21 : i32
        %gt3A_812 = arith.constant 5.000000e-01 : f32
        %gt3A_813 = vector.broadcast %gt3A_812 : f32 to vector<1x128xf32>
        %gt3A_814 = arith.cmpf ogt, %broadcast_in_dim3A_810, %gt3A_813 : vector<1x128xf32>
        %and3A_815 = vector.broadcast %gt3A_811 : i1 to vector<1x128xi1>
        %and3A_816 = arith.andi %and3A_815, %gt3A_814 : vector<1x128xi1>
        %get3A_817 = arith.index_cast %scan3A_747 : i32 to index
        %get3A_818 = arith.constant 0 : index
        %get3A_819 = arith.constant 0 : index
        %get3A_820 = vector.load %arg5[%get3A_817, %get3A_818, %get3A_819] : memref<40x1x128xf32, #tpu.memory_space<vmem>>, vector<1x1x128xf32>
        %get3A_821 = vector.shape_cast %get3A_820 : vector<1x1x128xf32> to vector<1x128xf32>
        %jit3A_822 = arith.constant 0.000000e+00 : f32
        %broadcast_in_dim3A_823 = vector.broadcast %jit3A_822 : f32 to vector<1x128xf32>
        %select_n3A_824 = arith.select %and3A_816, %broadcast_in_dim3A_823, %get3A_821 : vector<1x128xi1>, vector<1x128xf32>
        %swap3A_825 = arith.index_cast %scan3A_747 : i32 to index
        %swap3A_826 = arith.constant 0 : index
        %swap3A_827 = arith.constant 0 : index
        %swap3A_828 = vector.load %arg5[%swap3A_825, %swap3A_826, %swap3A_827] : memref<40x1x128xf32, #tpu.memory_space<vmem>>, vector<1x1x128xf32>
        %swap3A_829 = vector.shape_cast %swap3A_828 : vector<1x1x128xf32> to vector<1x128xf32>
        %swap3A_830 = vector.shape_cast %select_n3A_824 : vector<1x128xf32> to vector<1x1x128xf32>
        tpu.vector_store %arg5[%swap3A_825, %swap3A_826, %swap3A_827], %swap3A_830 {strides = array<i32>} : memref<40x1x128xf32, #tpu.memory_space<vmem>>, vector<1x1x128xf32>,
      }
      %scan3A_155 = arith.constant 40 : i32
    }
    %scan3A_20 = arith.constant 40 : i32
    return
  }
}

</mosaic_0001>

<sc_bundles>
// kernel: kernel.6.cloned.1.call-start
scs
__scs_entry_jumppad:
0x0: {  	(pc) =	sbr.rel $0x88, $3  }
0x1: {  	(tag) =	ssettag $0x0;
	lr =	simm.s32 $0x1  }
0x2: {  	[smem:$0x3F9F] =	sst lr;
	_ =	strace $0xD0000000  }
0x3: {  	_ = 	snop  }
0x4: {  	_ = 	snop  }
0x5: {  	_ = 	snop  }
0x6: {  	_ = 	snop  }
0x7: {  	_ = 	snop  }
__scs_overlays_trampoline_lowered:
0x8: {  	[smem:$0x3FAE] =	sst s0  }
0x9: {  	[smem:$0x3FAF] =	sst s1  }
0xa: {  	[smem:$0x3FB0] =	sst s2  }
0xb: {  	[smem:$0x3FB1] =	sst s3  }
0xc: {  	[smem:$0x3FB2] =	sst s4  }
0xd: {  	[smem:$0x3FB3] =	sst s5  }
0xe: {  	[smem:$0x3FB4] =	sst s6  }
0xf: {  	[smem:$0x3FB5] =	sst s7  }
0x10: {  	[smem:$0x3FB6] =	sst s8  }
0x11: {  	[smem:$0x3FB7] =	sst s9;
	s0 =	simm.s32 @!p0 $0x0  }
0x12: {  	s1 =	sld [smem:$0x3F9D];
	s0 =	simm.s32 @p0 $0x1  }
0x13: {  	[smem:$0x3FB8] =	sst s0;
	s0 =	simm.s32 @!p1 $0x0  }
0x14: {  	s2 =	sld [smem:$0x3F9C];
	s0 =	simm.s32 @p1 $0x1  }
0x15: {  	[smem:$0x3FB9] =	sst s0;
	s0 =	simm.s32 @!p2 $0x0  }
0x16: {  	s3 =	sld [smem:$0x3FDB];
	s0 =	simm.s32 @p2 $0x1  }
0x17: {  	s4 =	simm.s32 $0x1BF5;
	[smem:$0x3FBB] =	sst s0  }
0x18: {  	s0 =	sld [smem:$0x3F9E];
	_ =	swait.ge [sflag:s4], $0x0  }
0x19: {  	s7 =	sld [smem:$0x3F9F]  }
0x1a: {  	s8 =	sadd.s32 $0xFFFFE003, lr  }
0x1b: {  	s9 =	sadd.s32 $0xFFFFFEF7, lr;
	s5 =	simm.s32 $0xFFFFFFFF;
	p2 =	slt.u32 s8, $0xFFFFF086  }
0x1c: {  	p1 =	slt.u32 s9, $0xF7A;
	s5 =	simm.s32 @!p2 $0x0  }
0x1d: {  	s5 =	simm.s32 @p1 $0x1;
	p0 =	seq.s32 s7, s2  }
0x1e: {  	s7 =	smul.u32 @!p0 $0xF7A, s2;
	p2 =	seq.s32 @!p0 s5, $0x0  }
0x1f: {  	s9 =	smul.u32 $0xF7A, s1;
	s8 =	simm.s32 @!p0 $0x1BF5;
	p2 =	por !p2, p0  }
0x20: {  	[sflag:s8] =	ssyncset.s32 @!p0 $0xFFFFF086;
	s6 =	sadd.s32 @!p0 s3, s7;
	s7 =	simm.s32 @!p0 $0x108  }
0x21: {  	s3 =	sadd.s32 s3, s9;
	s6 =	sadd.s32 @!p0 $0x88, s6;
	s7 =	simm.s32 @p2 $0x1082  }
0x22: {  	[simem:s7], [sflag:s8] =	dma.local @!p0 [hbm:s6], $0xF7A  }
0x23: {  	s9 =	sor.u32 $0xD0000000, s2;
	s6 =	simm.s32 $0x108;
	_ =	swait.ge @!p0 [sflag:s8], $0x0  }
0x24: {  	s3 =	sadd.s32 $0x88, s3;
	s6 =	simm.s32 @!p1 $0x1082;
	[sflag:s4] =	ssyncset.s32 $0xFFFFF086  }
0x25: {  	[simem:s6], [sflag:s4] =	dma.local [hbm:s3], $0xF7A  }
0x26: {  	[smem:$0x3F9F] =	sst s1;
	(tag) =	ssettag s2;
	_ =	strace s9  }
0x27: {  	s1 =	sld [smem:$0x3FAF]  }
0x28: {  	s2 =	sld [smem:$0x3FB0]  }
0x29: {  	s4 =	sld [smem:$0x3FB2]  }
0x2a: {  	p0 =	seq.s32 s5, $0x0;
	s5 =	sld [smem:$0x3FB3]  }
0x2b: {  	s6 =	sld [smem:$0x3FB4]  }
0x2c: {  	s7 =	sld [smem:$0x3FB5]  }
0x2d: {  	s3 =	simm.s32 $0x108;
	s8 =	sld [smem:$0x3FB6]  }
0x2e: {  	s3 =	simm.s32 @!p0 $0x1082;
	s9 =	sld [smem:$0x3FB7]  }
0x2f: {  	lr =	sadd.s32 s0, s3;
	s0 =	sld [smem:$0x3FAE]  }
0x30: {  	s3 =	sld [smem:$0x3FB1]  }
0x31: {  	[smem:$0x3FBA] =	sst s10  }
0x32: {  	s10 =	sld [smem:$0x3FB8];
	_ =	sdelay $0x3  }
0x33: {  	p0 =	seq.s32 s10, $0x1;
	s10 =	sld [smem:$0x3FBA];
	_ =	sdelay $0x3  }
0x34: {  	[smem:$0x3FBA] =	sst s10  }
0x35: {  	s10 =	sld [smem:$0x3FB9];
	_ =	sdelay $0x3  }
0x36: {  	p1 =	seq.s32 s10, $0x1;
	s10 =	sld [smem:$0x3FBA];
	_ =	sdelay $0x3  }
0x37: {  	[smem:$0x3FBA] =	sst s10  }
0x38: {  	s10 =	sld [smem:$0x3FBB]  }
0x39: {  	_ = 	snop;
	(pc) =	sbr.ind lr, $3  }
0x3a: {  	_ = 	snop  }
0x3b: {  	_ = 	snop  }
0x3c: {  	p2 =	seq.s32 s10, $0x1;
	s10 =	sld [smem:$0x3FBA]  }
0x3d: {  	_ =	shalt  }
0x3e: {  	_ =	shalt  }
0x3f: {  	_ =	shalt  }
0x40: {  	_ =	shalt  }
0x41: {  	_ =	shalt  }
0x42: {  	_ =	shalt  }
0x43: {  	_ =	shalt  }
0x44: {  	_ =	shalt  }
0x45: {  	_ =	shalt  }
0x46: {  	_ =	shalt  }
0x47: {  	_ =	shalt  }
0x48: {  	_ =	shalt  }
0x49: {  	_ =	shalt  }
0x4a: {  	_ =	shalt  }
0x4b: {  	_ =	shalt  }
0x4c: {  	_ =	shalt  }
0x4d: {  	_ =	shalt  }
0x4e: {  	_ =	shalt  }
0x4f: {  	_ =	shalt  }
0x50: {  	_ =	shalt  }
0x51: {  	_ =	shalt  }
0x52: {  	_ =	shalt  }
0x53: {  	_ =	shalt  }
0x54: {  	_ =	shalt  }
0x55: {  	_ =	shalt  }
0x56: {  	_ =	shalt  }
0x57: {  	_ =	shalt  }
0x58: {  	_ =	shalt  }
0x59: {  	_ =	shalt  }
0x5a: {  	_ =	shalt  }
0x5b: {  	_ =	shalt  }
0x5c: {  	_ =	shalt  }
0x5d: {  	_ =	shalt  }
0x5e: {  	_ =	shalt  }
0x5f: {  	_ =	shalt  }
0x60: {  	_ =	shalt  }
0x61: {  	_ =	shalt  }
0x62: {  	_ =	shalt  }
0x63: {  	_ =	shalt  }
0x64: {  	_ =	shalt  }
0x65: {  	_ =	shalt  }
0x66: {  	_ =	shalt  }
0x67: {  	_ =	shalt  }
0x68: {  	_ =	shalt  }
0x69: {  	_ =	shalt  }
0x6a: {  	_ =	shalt  }
0x6b: {  	_ =	shalt  }
0x6c: {  	_ =	shalt  }
0x6d: {  	_ =	shalt  }
0x6e: {  	_ =	shalt  }
0x6f: {  	_ =	shalt  }
0x70: {  	_ =	shalt  }
0x71: {  	_ =	shalt  }
0x72: {  	_ =	shalt  }
0x73: {  	_ =	shalt  }
0x74: {  	_ =	shalt  }
0x75: {  	_ =	shalt  }
0x76: {  	_ =	shalt  }
0x77: {  	_ =	shalt  }
0x78: {  	_ =	shalt  }
0x79: {  	_ =	shalt  }
0x7a: {  	_ =	shalt  }
0x7b: {  	_ =	shalt  }
0x7c: {  	_ =	shalt  }
0x7d: {  	_ =	shalt  }
0x7e: {  	_ =	shalt  }
0x7f: {  	_ =	shalt  }
0x80: {  	_ =	shalt  }
0x81: {  	_ =	shalt  }
0x82: {  	_ =	shalt  }
0x83: {  	_ =	shalt  }
0x84: {  	_ =	shalt  }
0x85: {  	_ =	shalt  }
0x86: {  	_ =	shalt  }
0x87: {  	_ =	shalt  }
.Lfunc_end0:
.L_simem_size_0:
called_computation_lowered:
.L_overlay_start_0:
0x88: {  	s2 =	sld [smem:$0x3FD9]  }
0x89: {  	s3 =	sld [smem:$0x3FFE];
	_ =	sdelay $0x1  }
0x8a: {  	s1 =	srdreg.scid  }
0x8b: {  	s0 =	sand.u32 $0x1, s1  }
0x8c: {  	s14 =	sshll.u32 s0, $0xA;
	s2 =	sadd.s32 s3, s2  }
0x8d: {  	s2 =	sadd.s32 s2, s14  }
0x8e: {  	[smem:$0x3FC6] =	sst s2  }
0x8f: {  	_ = 	snop  }
0x90: {  	s2 =	sld [smem:$0x3FD0];
	_ =	sdelay $0x2  }
0x91: {  	s15 =	simm.s32 $0xA;
	s4 =	simm.s32 $0x10  }
0x92: {  	[smem:s4], [sflag:s15] =	dma.local [hbm:s2], $0x1  }
0x93: {  	_ =	swait.eq [sflag:s15], $0x1  }
0x94: {  	[sflag:s15] =	ssyncset.done $0x0  }
0x95: {  	[sflag:s15] =	ssyncadd.s32 $0xFFFFFFFF  }
0x96: {  	s16 =	sld [smem:$0x10];
	(tm) =	ssettm $0x1  }
0x97: {  	s17 =	sld [smem:$0x3FFB];
	_ =	sdelay $0x3  }
0x98: {  	_ =	strace s17  }
0x99: {  	s3 =	sld [smem:$0x3FFC];
	_ =	sdelay $0x3  }
0x9a: {  	_ =	strace s3  }
0x9b: {  	s3 =	sld [smem:$0x3FFD];
	_ =	sdelay $0x3  }
0x9c: {  	_ =	strace s3  }
0x9d: {  	_ =	strace $0x8FFFFFFF  }
0x9e: {  	s18 =	sld [smem:$0x3FDB];
	_ =	sdelay $0x1  }
0x9f: {  	s19 =	simm.s32 $_scs_section_size  }
0xa0: {  	s5 =	simm.s32 $_size__tile_overlayer_lowered;
	s6 =	simm.s32 $_tile_overlayer_lowered  }
0xa1: {  	s22 =	simm.s32 $0x1BFF;
	s21 =	sshll.u32 s6, $0x1;
	s3 =	sadd.s32 s19, s18  }
0xa2: {  	s7 =	simm.s32 $0x0;
	s20 =	sshll.u32 s5, $0x1;
	s5 =	sadd.s32 s21, s3  }
0xa3: {  	[timem:s7], [sflag:s22] =	dma.local [hbm:s5], s20  }
0xa4: {  	_ =	swait.ge [sflag:s22], s20  }
0xa5: {  	s4 =	ssub.s32 $0x0, s20;
	[sflag:s22] =	ssyncset.done $0x0  }
0xa6: {  	[sflag:s22] =	ssyncadd.s32 s4;
	_ =	sdelay $0x1  }
0xa7: {  	s23 =	simm.s32 $0x1B8B  }
0xa8: {  	_ =	swait.ge [sflag:s23], $0x1  }
0xa9: {  	[sflag:s23] =	ssyncset.done $0x0  }
0xaa: {  	s25 =	simm.s32 $0x1B8E;
	s24 =	sld [smem:$0x3FFE];
	[sflag:s23] =	ssyncadd.s32 $0xFFFFFFFF  }
0xab: {  	s26 =	simm.s32 $execute0_lowered;
	[smem:$0x3FD2] =	sst s25  }
0xac: {  	s5 =	sshll.u32 s26, $0x1;
	_ =	strace $0x80000046;
	[dreg:$0x1] =	wrdreg $0xFFFFFFFF  }
0xad: {  	s28 =	simm.s32 $_size_execute0_lowered;
	s3 =	sadd.s32 s3, s5;
	[dreg:$0x0] =	wrdreg $0x0  }
0xae: {  	s5 =	sshll.u32 s28, $0x1;
	[dreg:$0x2] =	wrdreg s3  }
0xaf: {  	[dreg:$0x3] =	wrdreg s5  }
0xb0: {  	[dreg:$0x4] =	wrdreg $0xC0  }
0xb1: {  	_ =	task [dreg:s7], $0x5FFFF  }
0xb2: {  	[dreg:$0x1] =	wrdreg $0xFFFFFFFF  }
0xb3: {  	[dreg:$0x0] =	wrdreg $0x60  }
0xb4: {  	[dreg:$0x2] =	wrdreg s24  }
0xb5: {  	[dreg:$0x3] =	wrdreg s16  }
0xb6: {  	[dreg:$0x4] =	wrdreg $0x9  }
0xb7: {  	_ =	task.clear_ibuf [dreg:s7], $0x5FFFF;
	_ =	strace $0x90000046  }
0xb8: {  	s29 =	simm.s32 $0x9;
	_ =	strace $0x80000048  }
0xb9: {  	_ =	swait.ge [sflag:s29], $0x1  }
0xba: {  	[sflag:s29] =	ssyncadd.s32 $0xFFFFFFFF  }
0xbb: {  	_ =	strace $0x90000048  }
0xbc: {  	_ =	sfence  }
0xbd: {  	s30 =	sld [smem:$0x0];
	_ =	sdelay $0x2  }
0xbe: {  	s31 =	sshll.u32 s1, $0xD;
	s1 =	sshrl.u32 s1, $0x2  }
0xbf: {  	s3 =	sand.u32 $0x4000, s31;
	s1 =	sadd.s32 s1, s30  }
0xc0: {  	s0 =	sor.u32 s3, s0;
	s1 =	sshll.u32 s1, $0x11  }
0xc1: {  	s0 =	sor.u32 s1, s0  }
0xc2: {  	s0 =	sadd.s32 $0x8F2B, s0  }
0xc3: {  	[sflag:s0] =	ssyncadd.remote.s32 $0x1  }
0xc4: {  	_ =	sfence.sel $0xFFFF  }
0xc5: {  	[dreg:$0x0] =	wrdreg $0xFFFFFFFF;
	(pc) =	sbr.abs _section_cstart, $3  }
0xc6: {  	[dreg:$0x1] =	wrdreg $0xFFFFFFFF  }
0xc7: {  	_ =	task.clear_ibuf [dreg:s7], $0x2FFFF;
	_ =	strace $0x9FFFFFFF  }
0xc8: {  	(tm) =	ssettm $0x7FFFFFFF  }
0xc9: {  	_ =	shalt  }
tec
execute0_lowered:
.L_overlay_start_1:
0x0: {  	(tag) =	ssettag $0x1  }
0x1: {  	s0 =	srdreg.scid  }
0x2: {  	s10 =	sand.u32 $0x1, s0;
	s0 =	stileid.u32  }
0x3: {  	s3 =	sor.u32 s0, s10  }
0x4: {  	p0 =	sne.s32 s3, $0x0  }
.Ltmp0:
0x5: {  	_ = 	snop;
	(pc) =	sbr.rel @p0 .LBB2_5-.Ltmp0, $4  }
0x6: {  	_ = 	snop  }
0x7: {  	s12 =	rddreg [dreg:$0x0]  }
0x8: {  	s2 =	rddreg [dreg:$0x1]  }
0x9: {  	s1 =	rddreg [dreg:$0x2];
	_ =	strace $0x80000047  }
0xa: {  	s3 =	sadd.s32 $0x2800, s12;
	s4 =	sadd.s32 $0x3400, s12  }
0xb: {  	s5 =	sadd.s32 $0x2C00, s12;
	s6 =	sadd.s32 $0x3000, s12;
	s7 =	sadd.s32 $0x2400, s12  }
0xc: {  	s8 =	sadd.s32 $0x3800, s12;
	s9 =	sadd.s32 $0x3C00, s12;
	s13 =	ssub.s32 $0x2, s10  }
0xd: {  	s10 =	sadd.s32 $0x4000, s12;
	s11 =	sadd.s32 $0x4400, s12;
	s12 =	sadd.s32 $0x4800, s12  }
0xe: {  	s15 =	simm.s32 $0x1;
	s16 =	simm.s32 $0x1400;
	s17 =	simm.s32 $0x2800  }
0xf: {  	s18 =	simm.s32 $0x3C00;
	s19 =	simm.s32 $0x5000;
	s20 =	simm.s32 $0x6400  }
0x10: {  	s21 =	simm.s32 $0x7800;
	s22 =	simm.s32 $0x8C00;
	s23 =	simm.s32 $0xA000  }
0x11: {  	s24 =	simm.s32 $0xB400;
	s25 =	simm.s32 $0xC800;
	s14 =	sshrl.u32 s13, $0x1  }
0x12: {  	s26 =	simm.s32 $0x0;
	s13 =	ssub.s32 s13, s14;
	s14 =	simm.s32 $0x0  }
.LBB2_2:
0x13: {  	[tilespmem:s14], [sflag:$0x1] =	stream.linear.gather [hbm4b:s3+s14], $0x1400, $0x38;
	[tilespmem:$0xDC00] =	vst v63  }
0x14: {  	_ =	swait.ge [sflag:s15], $0x1400  }
0x15: {  	[sflag:s15] =	ssyncset.done $0x0  }
0x16: {  	[sflag:s15] =	ssyncadd.s32 $0xFFFFEC00  }
0x17: {  	[tilespmem:s16], [sflag:$0x1] =	stream.linear.gather [hbm4b:s4+s14], $0x1400, $0x38;
	[tilespmem:$0xDC00] =	vst v63  }
0x18: {  	_ =	swait.ge [sflag:s15], $0x1400  }
0x19: {  	[sflag:s15] =	ssyncset.done $0x0  }
0x1a: {  	[sflag:s15] =	ssyncadd.s32 $0xFFFFEC00  }
0x1b: {  	[tilespmem:s17], [sflag:$0x1] =	stream.linear.gather [hbm4b:s5+s14], $0x1400, $0x38;
	[tilespmem:$0xDC00] =	vst v63  }
0x1c: {  	_ =	swait.ge [sflag:s15], $0x1400  }
0x1d: {  	[sflag:s15] =	ssyncset.done $0x0  }
0x1e: {  	[sflag:s15] =	ssyncadd.s32 $0xFFFFEC00  }
0x1f: {  	[tilespmem:s18], [sflag:$0x1] =	stream.linear.gather [hbm4b:s6+s14], $0x1400, $0x38;
	[tilespmem:$0xDC00] =	vst v63  }
0x20: {  	_ =	swait.ge [sflag:s15], $0x1400  }
0x21: {  	[sflag:s15] =	ssyncset.done $0x0  }
0x22: {  	[sflag:s15] =	ssyncadd.s32 $0xFFFFEC00  }
0x23: {  	[tilespmem:s19], [sflag:$0x1] =	stream.linear.gather [hbm4b:s2+s14], $0x1400, $0x38;
	[tilespmem:$0xDC00] =	vst v63  }
0x24: {  	_ =	swait.ge [sflag:s15], $0x1400  }
0x25: {  	[sflag:s15] =	ssyncset.done $0x0  }
0x26: {  	[sflag:s15] =	ssyncadd.s32 $0xFFFFEC00  }
0x27: {  	[tilespmem:s20], [sflag:$0x1] =	stream.linear.gather [hbm4b:s7+s14], $0x1400, $0x38;
	[tilespmem:$0xDC00] =	vst v63  }
0x28: {  	_ =	swait.ge [sflag:s15], $0x1400  }
0x29: {  	[sflag:s15] =	ssyncset.done $0x0  }
0x2a: {  	s28 =	simm.s32 $0x0;
	s29 =	simm.s32 $0x40;
	[sflag:s15] =	ssyncadd.s32 $0xFFFFEC00  }
.LBB2_3:
0x2b: {  	p0 =	sne.s32 s29, $0x4FC0;
	v0 =	vld [tilespmem:s28+$0x0]  }
0x2c: {  	v1 =	vld [tilespmem:s28+$0x1400];
	_ =	sdelay $0x6  }
0x2d: {  	[tilespmem:v0+s21+$0x0] =	vst.idx.msk $0xffff, v1  }
0x2e: {  	v1 =	vld [tilespmem:s28+$0x2800];
	_ =	sdelay $0x4  }
0x2f: {  	[tilespmem:v0+s22+$0x0] =	vst.idx.msk $0xffff, v1  }
0x30: {  	v1 =	vld [tilespmem:s28+$0x3C00];
	_ =	sdelay $0x4  }
0x31: {  	[tilespmem:v0+s23+$0x0] =	vst.idx.msk $0xffff, v1  }
0x32: {  	v1 =	vld [tilespmem:s28+$0x5000];
	_ =	sdelay $0x4  }
0x33: {  	[tilespmem:v0+s24+$0x0] =	vst.idx.msk $0xffff, v1  }
0x34: {  	v1 =	vld [tilespmem:s28+$0x6400]  }
.Ltmp1:
0x35: {  	(pc) =	sbr.rel @p0 .LBB2_3-.Ltmp1, $2  }
0x36: {  	_ =	sdelay $0x2  }
0x37: {  	s28 =	sshra.s32 s29, $0x2;
	s29 =	sadd.s32 $0x40, s29;
	[tilespmem:v0+s25+$0x0] =	vst.idx.msk $0xffff, v1  }
0x38: {  	v0 =	vld [tilespmem:s28+$0x0];
	_ =	sdelay $0x2  }
0x39: {  	v1 =	vld [tilespmem:s28+$0x1400];
	_ =	sdelay $0x4  }
0x3a: {  	[tilespmem:v0+s21+$0x0] =	vst.idx.msk $0xffff, v1  }
0x3b: {  	v1 =	vld [tilespmem:s28+$0x2800];
	_ =	sdelay $0x4  }
0x3c: {  	[tilespmem:v0+s22+$0x0] =	vst.idx.msk $0xffff, v1  }
0x3d: {  	v1 =	vld [tilespmem:s28+$0x3C00];
	_ =	sdelay $0x4  }
0x3e: {  	[tilespmem:v0+s23+$0x0] =	vst.idx.msk $0xffff, v1  }
0x3f: {  	v1 =	vld [tilespmem:s28+$0x5000];
	_ =	sdelay $0x4  }
0x40: {  	[tilespmem:v0+s24+$0x0] =	vst.idx.msk $0xffff, v1  }
0x41: {  	v1 =	vld [tilespmem:s28+$0x6400];
	_ =	sdelay $0x4  }
0x42: {  	[tilespmem:v0+s25+$0x0] =	vst.idx.msk $0xffff, v1  }
0x43: {  	[hbm4b:s8+s14] =	stream.linear.scatter [tilespmem:s21], [sflag:$0x1], $0x1400, $0x38;
	[tilespmem:$0xDC00] =	vst v63  }
0x44: {  	_ =	swait.ge [sflag:s15], $0x1400  }
0x45: {  	[sflag:s15] =	ssyncset.done $0x0  }
0x46: {  	[sflag:s15] =	ssyncadd.s32 $0xFFFFEC00  }
0x47: {  	[hbm4b:s9+s14] =	stream.linear.scatter [tilespmem:s22], [sflag:$0x1], $0x1400, $0x38;
	[tilespmem:$0xDC00] =	vst v63  }
0x48: {  	_ =	swait.ge [sflag:s15], $0x1400  }
0x49: {  	[sflag:s15] =	ssyncset.done $0x0  }
0x4a: {  	[sflag:s15] =	ssyncadd.s32 $0xFFFFEC00  }
0x4b: {  	[hbm4b:s10+s14] =	stream.linear.scatter [tilespmem:s23], [sflag:$0x1], $0x1400, $0x38;
	[tilespmem:$0xDC00] =	vst v63  }
0x4c: {  	_ =	swait.ge [sflag:s15], $0x1400  }
0x4d: {  	[sflag:s15] =	ssyncset.done $0x0  }
0x4e: {  	[sflag:s15] =	ssyncadd.s32 $0xFFFFEC00  }
0x4f: {  	[hbm4b:s11+s14] =	stream.linear.scatter [tilespmem:s24], [sflag:$0x1], $0x1400, $0x38;
	[tilespmem:$0xDC00] =	vst v63  }
0x50: {  	s26 =	sadd.s32 $0x1, s26;
	_ =	swait.ge [sflag:s15], $0x1400  }
0x51: {  	p0 =	sne.s32 s26, s13;
	[sflag:s15] =	ssyncset.done $0x0  }
.Ltmp2:
0x52: {  	[sflag:s15] =	ssyncadd.s32 $0xFFFFEC00;
	(pc) =	sbr.rel @p0 .LBB2_2-.Ltmp2, $4  }
0x53: {  	[hbm4b:s12+s14] =	stream.linear.scatter [tilespmem:s25], [sflag:$0x1], $0x1400, $0x38;
	[tilespmem:$0xDC00] =	vst v63  }
0x54: {  	_ =	swait.ge [sflag:s15], $0x1400  }
0x55: {  	[sflag:s15] =	ssyncset.done $0x0  }
0x56: {  	[sflag:s15] =	ssyncadd.s32 $0xFFFFEC00  }
.LBB2_5:
0x57: {  	_ =	sfence.sel $0x180000  }
0x58: {  	[bflag:$0x0] =	sbarrier.arrive $0xFFFF  }
0x59: {  	p0 =	sne.s32 s0, $0x0;
	_ =	strace $0x90000047  }
0x5a: {  	s0 =	sadd.s32 @!p0 $0x100000, s1;
	[bflag:$0x2] =	sbarrier.arrive $0xFFFF  }
0x5b: {  	[sflag:s0] =	ssyncadd.tile.s32 @!p0 $0x1;
	_ =	shalt  }
.Lfunc_end2:
_tile_overlayer_lowered:
.L_overlay_start_2:
0x5c: {  	(tag) =	ssettag $0x2  }
0x5d: {  	s0 =	rddreg [dreg:$0x0];
	s2 =	stileid.u32  }
0x5e: {  	s1 =	rddreg [dreg:$0x1];
	p0 =	sne.s32 s2, $0x0  }
0x5f: {  	s3 =	rddreg [dreg:$0x2];
	[bflag:$0x3] =	sbarrier.arrive $0xFFFF;
	s2 =	simm.s32 @!p0 $0x1C01  }
0x60: {  	[timem:s3], [sflag:s2] =	dma.local @!p0 [hbm:s0], s1  }
0x61: {  	s0 =	simm.s32 @!p0 $0x1  }
0x62: {  	_ =	swait.ge @!p0 [sflag:s0], s1  }
0x63: {  	s1 =	ssub.s32 @!p0 $0x0, s1;
	[sflag:s0] =	ssyncset.done @!p0 $0x0  }
0x64: {  	[sflag:s0] =	ssyncadd.s32 @!p0 s1  }
0x65: {  	[bflag:$0x3] =	sbarrier.arrive $0xFFFF  }
0x66: {  	_ =	shalt  }

// kernel: kernel.9.cloned.1.call-start
scs
__scs_entry_jumppad:
0x0: {  	(pc) =	sbr.rel $0x88, $3  }
0x1: {  	(tag) =	ssettag $0x0;
	lr =	simm.s32 $0x1  }
0x2: {  	[smem:$0x3F9F] =	sst lr;
	_ =	strace $0xD0000000  }
0x3: {  	_ = 	snop  }
0x4: {  	_ = 	snop  }
0x5: {  	_ = 	snop  }
0x6: {  	_ = 	snop  }
0x7: {  	_ = 	snop  }
__scs_overlays_trampoline_lowered:
0x8: {  	[smem:$0x3FAE] =	sst s0  }
0x9: {  	[smem:$0x3FAF] =	sst s1  }
0xa: {  	[smem:$0x3FB0] =	sst s2  }
0xb: {  	[smem:$0x3FB1] =	sst s3  }
0xc: {  	[smem:$0x3FB2] =	sst s4  }
0xd: {  	[smem:$0x3FB3] =	sst s5  }
0xe: {  	[smem:$0x3FB4] =	sst s6  }
0xf: {  	[smem:$0x3FB5] =	sst s7  }
0x10: {  	[smem:$0x3FB6] =	sst s8  }
0x11: {  	[smem:$0x3FB7] =	sst s9;
	s0 =	simm.s32 @!p0 $0x0  }
0x12: {  	s1 =	sld [smem:$0x3F9D];
	s0 =	simm.s32 @p0 $0x1  }
0x13: {  	[smem:$0x3FB8] =	sst s0;
	s0 =	simm.s32 @!p1 $0x0  }
0x14: {  	s2 =	sld [smem:$0x3F9C];
	s0 =	simm.s32 @p1 $0x1  }
0x15: {  	[smem:$0x3FB9] =	sst s0;
	s0 =	simm.s32 @!p2 $0x0  }
0x16: {  	s3 =	sld [smem:$0x3FDB];
	s0 =	simm.s32 @p2 $0x1  }
0x17: {  	s4 =	simm.s32 $0x1BF5;
	[smem:$0x3FBB] =	sst s0  }
0x18: {  	s0 =	sld [smem:$0x3F9E];
	_ =	swait.ge [sflag:s4], $0x0  }
0x19: {  	s7 =	sld [smem:$0x3F9F]  }
0x1a: {  	s8 =	sadd.s32 $0xFFFFE003, lr  }
0x1b: {  	s9 =	sadd.s32 $0xFFFFFEF7, lr;
	s5 =	simm.s32 $0xFFFFFFFF;
	p2 =	slt.u32 s8, $0xFFFFF086  }
0x1c: {  	p1 =	slt.u32 s9, $0xF7A;
	s5 =	simm.s32 @!p2 $0x0  }
0x1d: {  	s5 =	simm.s32 @p1 $0x1;
	p0 =	seq.s32 s7, s2  }
0x1e: {  	s7 =	smul.u32 @!p0 $0xF7A, s2;
	p2 =	seq.s32 @!p0 s5, $0x0  }
0x1f: {  	s9 =	smul.u32 $0xF7A, s1;
	s8 =	simm.s32 @!p0 $0x1BF5;
	p2 =	por !p2, p0  }
0x20: {  	[sflag:s8] =	ssyncset.s32 @!p0 $0xFFFFF086;
	s6 =	sadd.s32 @!p0 s3, s7;
	s7 =	simm.s32 @!p0 $0x108  }
0x21: {  	s3 =	sadd.s32 s3, s9;
	s6 =	sadd.s32 @!p0 $0x88, s6;
	s7 =	simm.s32 @p2 $0x1082  }
0x22: {  	[simem:s7], [sflag:s8] =	dma.local @!p0 [hbm:s6], $0xF7A  }
0x23: {  	s9 =	sor.u32 $0xD0000000, s2;
	s6 =	simm.s32 $0x108;
	_ =	swait.ge @!p0 [sflag:s8], $0x0  }
0x24: {  	s3 =	sadd.s32 $0x88, s3;
	s6 =	simm.s32 @!p1 $0x1082;
	[sflag:s4] =	ssyncset.s32 $0xFFFFF086  }
0x25: {  	[simem:s6], [sflag:s4] =	dma.local [hbm:s3], $0xF7A  }
0x26: {  	[smem:$0x3F9F] =	sst s1;
	(tag) =	ssettag s2;
	_ =	strace s9  }
0x27: {  	s1 =	sld [smem:$0x3FAF]  }
0x28: {  	s2 =	sld [smem:$0x3FB0]  }
0x29: {  	s4 =	sld [smem:$0x3FB2]  }
0x2a: {  	p0 =	seq.s32 s5, $0x0;
	s5 =	sld [smem:$0x3FB3]  }
0x2b: {  	s6 =	sld [smem:$0x3FB4]  }
0x2c: {  	s7 =	sld [smem:$0x3FB5]  }
0x2d: {  	s3 =	simm.s32 $0x108;
	s8 =	sld [smem:$0x3FB6]  }
0x2e: {  	s3 =	simm.s32 @!p0 $0x1082;
	s9 =	sld [smem:$0x3FB7]  }
0x2f: {  	lr =	sadd.s32 s0, s3;
	s0 =	sld [smem:$0x3FAE]  }
0x30: {  	s3 =	sld [smem:$0x3FB1]  }
0x31: {  	[smem:$0x3FBA] =	sst s10  }
0x32: {  	s10 =	sld [smem:$0x3FB8];
	_ =	sdelay $0x3  }
0x33: {  	p0 =	seq.s32 s10, $0x1;
	s10 =	sld [smem:$0x3FBA];
	_ =	sdelay $0x3  }
0x34: {  	[smem:$0x3FBA] =	sst s10  }
0x35: {  	s10 =	sld [smem:$0x3FB9];
	_ =	sdelay $0x3  }
0x36: {  	p1 =	seq.s32 s10, $0x1;
	s10 =	sld [smem:$0x3FBA];
	_ =	sdelay $0x3  }
0x37: {  	[smem:$0x3FBA] =	sst s10  }
0x38: {  	s10 =	sld [smem:$0x3FBB]  }
0x39: {  	_ = 	snop;
	(pc) =	sbr.ind lr, $3  }
0x3a: {  	_ = 	snop  }
0x3b: {  	_ = 	snop  }
0x3c: {  	p2 =	seq.s32 s10, $0x1;
	s10 =	sld [smem:$0x3FBA]  }
0x3d: {  	_ =	shalt  }
0x3e: {  	_ =	shalt  }
0x3f: {  	_ =	shalt  }
0x40: {  	_ =	shalt  }
0x41: {  	_ =	shalt  }
0x42: {  	_ =	shalt  }
0x43: {  	_ =	shalt  }
0x44: {  	_ =	shalt  }
0x45: {  	_ =	shalt  }
0x46: {  	_ =	shalt  }
0x47: {  	_ =	shalt  }
0x48: {  	_ =	shalt  }
0x49: {  	_ =	shalt  }
0x4a: {  	_ =	shalt  }
0x4b: {  	_ =	shalt  }
0x4c: {  	_ =	shalt  }
0x4d: {  	_ =	shalt  }
0x4e: {  	_ =	shalt  }
0x4f: {  	_ =	shalt  }
0x50: {  	_ =	shalt  }
0x51: {  	_ =	shalt  }
0x52: {  	_ =	shalt  }
0x53: {  	_ =	shalt  }
0x54: {  	_ =	shalt  }
0x55: {  	_ =	shalt  }
0x56: {  	_ =	shalt  }
0x57: {  	_ =	shalt  }
0x58: {  	_ =	shalt  }
0x59: {  	_ =	shalt  }
0x5a: {  	_ =	shalt  }
0x5b: {  	_ =	shalt  }
0x5c: {  	_ =	shalt  }
0x5d: {  	_ =	shalt  }
0x5e: {  	_ =	shalt  }
0x5f: {  	_ =	shalt  }
0x60: {  	_ =	shalt  }
0x61: {  	_ =	shalt  }
0x62: {  	_ =	shalt  }
0x63: {  	_ =	shalt  }
0x64: {  	_ =	shalt  }
0x65: {  	_ =	shalt  }
0x66: {  	_ =	shalt  }
0x67: {  	_ =	shalt  }
0x68: {  	_ =	shalt  }
0x69: {  	_ =	shalt  }
0x6a: {  	_ =	shalt  }
0x6b: {  	_ =	shalt  }
0x6c: {  	_ =	shalt  }
0x6d: {  	_ =	shalt  }
0x6e: {  	_ =	shalt  }
0x6f: {  	_ =	shalt  }
0x70: {  	_ =	shalt  }
0x71: {  	_ =	shalt  }
0x72: {  	_ =	shalt  }
0x73: {  	_ =	shalt  }
0x74: {  	_ =	shalt  }
0x75: {  	_ =	shalt  }
0x76: {  	_ =	shalt  }
0x77: {  	_ =	shalt  }
0x78: {  	_ =	shalt  }
0x79: {  	_ =	shalt  }
0x7a: {  	_ =	shalt  }
0x7b: {  	_ =	shalt  }
0x7c: {  	_ =	shalt  }
0x7d: {  	_ =	shalt  }
0x7e: {  	_ =	shalt  }
0x7f: {  	_ =	shalt  }
0x80: {  	_ =	shalt  }
0x81: {  	_ =	shalt  }
0x82: {  	_ =	shalt  }
0x83: {  	_ =	shalt  }
0x84: {  	_ =	shalt  }
0x85: {  	_ =	shalt  }
0x86: {  	_ =	shalt  }
0x87: {  	_ =	shalt  }
.Lfunc_end0:
.L_simem_size_0:
called_computation.1_lowered:
.L_overlay_start_0:
0x88: {  	s2 =	sld [smem:$0x3FD9]  }
0x89: {  	s3 =	sld [smem:$0x3FFE];
	_ =	sdelay $0x1  }
0x8a: {  	s1 =	srdreg.scid  }
0x8b: {  	s0 =	sand.u32 $0x1, s1  }
0x8c: {  	s14 =	sshll.u32 s0, $0xA;
	s2 =	sadd.s32 s3, s2  }
0x8d: {  	s2 =	sadd.s32 s2, s14  }
0x8e: {  	[smem:$0x3FC6] =	sst s2  }
0x8f: {  	_ = 	snop  }
0x90: {  	s2 =	sld [smem:$0x3FD0];
	_ =	sdelay $0x2  }
0x91: {  	s15 =	simm.s32 $0xA;
	s4 =	simm.s32 $0x10  }
0x92: {  	[smem:s4], [sflag:s15] =	dma.local [hbm:s2], $0x1  }
0x93: {  	_ =	swait.eq [sflag:s15], $0x1  }
0x94: {  	[sflag:s15] =	ssyncset.done $0x0  }
0x95: {  	[sflag:s15] =	ssyncadd.s32 $0xFFFFFFFF  }
0x96: {  	s16 =	sld [smem:$0x10];
	(tm) =	ssettm $0x1  }
0x97: {  	s17 =	sld [smem:$0x3FFB];
	_ =	sdelay $0x3  }
0x98: {  	_ =	strace s17  }
0x99: {  	s3 =	sld [smem:$0x3FFC];
	_ =	sdelay $0x3  }
0x9a: {  	_ =	strace s3  }
0x9b: {  	s3 =	sld [smem:$0x3FFD];
	_ =	sdelay $0x3  }
0x9c: {  	_ =	strace s3  }
0x9d: {  	_ =	strace $0x8FFFFFFF  }
0x9e: {  	s18 =	sld [smem:$0x3FDB];
	_ =	sdelay $0x1  }
0x9f: {  	s19 =	simm.s32 $_scs_section_size  }
0xa0: {  	s5 =	simm.s32 $_size__tile_overlayer_lowered;
	s6 =	simm.s32 $_tile_overlayer_lowered  }
0xa1: {  	s22 =	simm.s32 $0x1BFF;
	s21 =	sshll.u32 s6, $0x1;
	s3 =	sadd.s32 s19, s18  }
0xa2: {  	s7 =	simm.s32 $0x0;
	s20 =	sshll.u32 s5, $0x1;
	s5 =	sadd.s32 s21, s3  }
0xa3: {  	[timem:s7], [sflag:s22] =	dma.local [hbm:s5], s20  }
0xa4: {  	_ =	swait.ge [sflag:s22], s20  }
0xa5: {  	s4 =	ssub.s32 $0x0, s20;
	[sflag:s22] =	ssyncset.done $0x0  }
0xa6: {  	[sflag:s22] =	ssyncadd.s32 s4;
	_ =	sdelay $0x1  }
0xa7: {  	s23 =	simm.s32 $0x1B8B  }
0xa8: {  	_ =	swait.ge [sflag:s23], $0x1  }
0xa9: {  	[sflag:s23] =	ssyncset.done $0x0  }
0xaa: {  	s25 =	simm.s32 $0x1B8E;
	s24 =	sld [smem:$0x3FFE];
	[sflag:s23] =	ssyncadd.s32 $0xFFFFFFFF  }
0xab: {  	s26 =	simm.s32 $execute0_lowered;
	[smem:$0x3FD2] =	sst s25  }
0xac: {  	s5 =	sshll.u32 s26, $0x1;
	_ =	strace $0x80000049;
	[dreg:$0x1] =	wrdreg $0xFFFFFFFF  }
0xad: {  	s28 =	simm.s32 $_size_execute0_lowered;
	s3 =	sadd.s32 s3, s5;
	[dreg:$0x0] =	wrdreg $0x0  }
0xae: {  	s5 =	sshll.u32 s28, $0x1;
	[dreg:$0x2] =	wrdreg s3  }
0xaf: {  	[dreg:$0x3] =	wrdreg s5  }
0xb0: {  	[dreg:$0x4] =	wrdreg $0xC0  }
0xb1: {  	_ =	task [dreg:s7], $0x5FFFF  }
0xb2: {  	[dreg:$0x1] =	wrdreg $0xFFFFFFFF  }
0xb3: {  	[dreg:$0x0] =	wrdreg $0x60  }
0xb4: {  	[dreg:$0x2] =	wrdreg s24  }
0xb5: {  	[dreg:$0x3] =	wrdreg s16  }
0xb6: {  	[dreg:$0x4] =	wrdreg $0x9  }
0xb7: {  	_ =	task.clear_ibuf [dreg:s7], $0x5FFFF;
	_ =	strace $0x90000049  }
0xb8: {  	s29 =	simm.s32 $0x9;
	_ =	strace $0x8000004B  }
0xb9: {  	_ =	swait.ge [sflag:s29], $0x1  }
0xba: {  	[sflag:s29] =	ssyncadd.s32 $0xFFFFFFFF  }
0xbb: {  	_ =	strace $0x9000004B  }
0xbc: {  	_ =	sfence  }
0xbd: {  	s30 =	sld [smem:$0x0];
	_ =	sdelay $0x2  }
0xbe: {  	s31 =	sshll.u32 s1, $0xD;
	s1 =	sshrl.u32 s1, $0x2  }
0xbf: {  	s3 =	sand.u32 $0x4000, s31;
	s1 =	sadd.s32 s1, s30  }
0xc0: {  	s0 =	sor.u32 s3, s0;
	s1 =	sshll.u32 s1, $0x11  }
0xc1: {  	s0 =	sor.u32 s1, s0  }
0xc2: {  	s0 =	sadd.s32 $0x8F2B, s0  }
0xc3: {  	[sflag:s0] =	ssyncadd.remote.s32 $0x1  }
0xc4: {  	_ =	sfence.sel $0xFFFF  }
0xc5: {  	[dreg:$0x0] =	wrdreg $0xFFFFFFFF;
	(pc) =	sbr.abs _section_cstart, $3  }
0xc6: {  	[dreg:$0x1] =	wrdreg $0xFFFFFFFF  }
0xc7: {  	_ =	task.clear_ibuf [dreg:s7], $0x2FFFF;
	_ =	strace $0x9FFFFFFF  }
0xc8: {  	(tm) =	ssettm $0x7FFFFFFF  }
0xc9: {  	_ =	shalt  }
tec
execute0_lowered:
.L_overlay_start_1:
0x0: {  	(tag) =	ssettag $0x1  }
0x1: {  	s0 =	srdreg.scid  }
0x2: {  	s4 =	sand.u32 $0x1, s0;
	s0 =	stileid.u32  }
0x3: {  	s3 =	sor.u32 s0, s4  }
0x4: {  	p0 =	sne.s32 s3, $0x0  }
.Ltmp0:
0x5: {  	_ = 	snop;
	(pc) =	sbr.rel @p0 .LBB2_5-.Ltmp0, $4  }
0x6: {  	_ = 	snop  }
0x7: {  	s6 =	rddreg [dreg:$0x0]  }
0x8: {  	s2 =	rddreg [dreg:$0x1]  }
0x9: {  	s1 =	rddreg [dreg:$0x2];
	_ =	strace $0x8000004A  }
0xa: {  	s3 =	sadd.s32 $0x2800, s6;
	s7 =	ssub.s32 $0x2, s4  }
0xb: {  	s4 =	sadd.s32 $0x2C00, s6;
	s5 =	sadd.s32 $0x2400, s6;
	s6 =	sadd.s32 $0x3000, s6  }
0xc: {  	s9 =	simm.s32 $0x1;
	s10 =	simm.s32 $0x1400;
	s11 =	simm.s32 $0x2800  }
0xd: {  	s12 =	simm.s32 $0x3C00;
	s13 =	simm.s32 $0x5000;
	s8 =	sshrl.u32 s7, $0x1  }
0xe: {  	s14 =	simm.s32 $0x0;
	s7 =	ssub.s32 s7, s8;
	s8 =	simm.s32 $0x0  }
.LBB2_2:
0xf: {  	[tilespmem:s8], [sflag:$0x1] =	stream.linear.gather [hbm4b:s3+s8], $0x1400, $0x38;
	[tilespmem:$0x6400] =	vst v63  }
0x10: {  	_ =	swait.ge [sflag:s9], $0x1400  }
0x11: {  	[sflag:s9] =	ssyncset.done $0x0  }
0x12: {  	[sflag:s9] =	ssyncadd.s32 $0xFFFFEC00  }
0x13: {  	[tilespmem:s10], [sflag:$0x1] =	stream.linear.gather [hbm4b:s4+s8], $0x1400, $0x38;
	[tilespmem:$0x6400] =	vst v63  }
0x14: {  	_ =	swait.ge [sflag:s9], $0x1400  }
0x15: {  	[sflag:s9] =	ssyncset.done $0x0  }
0x16: {  	[sflag:s9] =	ssyncadd.s32 $0xFFFFEC00  }
0x17: {  	[tilespmem:s11], [sflag:$0x1] =	stream.linear.gather [hbm4b:s5+s8], $0x1400, $0x38;
	[tilespmem:$0x6400] =	vst v63  }
0x18: {  	_ =	swait.ge [sflag:s9], $0x1400  }
0x19: {  	[sflag:s9] =	ssyncset.done $0x0  }
0x1a: {  	s15 =	simm.s32 $0x0;
	[sflag:s9] =	ssyncadd.s32 $0xFFFFEC00  }
0x1b: {  	v1 =	vld [tilespmem:s15+$0x0];
	_ =	sdelay $0x6  }
0x1c: {  	v0 =	vld [tilespmem:s15+$0x2800]  }
0x1d: {  	s16 =	simm.s32 $0x10;
	s17 =	simm.s32 $0x80;
	v1 =	vld.idx.msk [tilespmem:v1+s10+$0x0], $0xffff  }
.LBB2_3:
0x1e: {  	p0 =	sne.s32 s17, $0x4FC0;
	v2 =	vld [tilespmem:s16+$0x0];
	_ =	sdelay $0x3  }
.Ltmp1:
0x1f: {  	(pc) =	sbr.rel @p0 .LBB2_3-.Ltmp1, $3  }
0x20: {  	[tilespmem:s15+$0x3C00] =	vst v1;
	v1 =	vmul.f32 v0, v1;
	_ =	sdelay $0x1  }
0x21: {  	v0 =	vld [tilespmem:s16+$0x2800];
	[tilespmem:s15+$0x5000] =	vst v1;
	s15 =	smov.u32 s16  }
0x22: {  	s16 =	sshra.s32 s17, $0x2;
	s17 =	sadd.s32 $0x40, s17;
	v1 =	vld.idx.msk [tilespmem:v2+s10+$0x0], $0xffff  }
0x23: {  	v2 =	vld [tilespmem:s16+$0x0];
	_ =	sdelay $0x4  }
0x24: {  	v0 =	vmul.f32 v0, v1  }
0x25: {  	[tilespmem:s15+$0x3C00] =	vst v1  }
0x26: {  	v63 =	vld [tilespmem:s16+$0x2800];
	[tilespmem:s15+$0x5000] =	vst v0  }
0x27: {  	v0 =	vld.idx.msk [tilespmem:v2+s10+$0x0], $0xffff;
	_ =	sdelay $0x4  }
0x28: {  	v1 =	vmul.f32 v63, v0  }
0x29: {  	[tilespmem:s16+$0x3C00] =	vst v0  }
0x2a: {  	[tilespmem:s16+$0x5000] =	vst v1  }
0x2b: {  	[hbm4b:s6+s8] =	stream.linear.scatter [tilespmem:s12], [sflag:$0x1], $0x1400, $0x38;
	[tilespmem:$0x6400] =	vst v63  }
0x2c: {  	s14 =	sadd.s32 $0x1, s14;
	_ =	swait.ge [sflag:s9], $0x1400  }
0x2d: {  	p0 =	sne.s32 s14, s7;
	[sflag:s9] =	ssyncset.done $0x0  }
.Ltmp2:
0x2e: {  	[sflag:s9] =	ssyncadd.s32 $0xFFFFEC00;
	(pc) =	sbr.rel @p0 .LBB2_2-.Ltmp2, $4  }
0x2f: {  	[hbm4b:s2+s8] =	stream.linear.scatter [tilespmem:s13], [sflag:$0x1], $0x1400, $0x38;
	[tilespmem:$0x6400] =	vst v63  }
0x30: {  	_ =	swait.ge [sflag:s9], $0x1400  }
0x31: {  	[sflag:s9] =	ssyncset.done $0x0  }
0x32: {  	[sflag:s9] =	ssyncadd.s32 $0xFFFFEC00  }
.LBB2_5:
0x33: {  	_ =	sfence.sel $0x180000  }
0x34: {  	[bflag:$0x0] =	sbarrier.arrive $0xFFFF  }
0x35: {  	p0 =	sne.s32 s0, $0x0;
	_ =	strace $0x9000004A  }
0x36: {  	s0 =	sadd.s32 @!p0 $0x100000, s1;
	[bflag:$0x2] =	sbarrier.arrive $0xFFFF  }
0x37: {  	[sflag:s0] =	ssyncadd.tile.s32 @!p0 $0x1;
	_ =	shalt  }
.Lfunc_end2:
_tile_overlayer_lowered:
.L_overlay_start_2:
0x38: {  	(tag) =	ssettag $0x2  }
0x39: {  	s0 =	rddreg [dreg:$0x0];
	s2 =	stileid.u32  }
0x3a: {  	s1 =	rddreg [dreg:$0x1];
	p0 =	sne.s32 s2, $0x0  }
0x3b: {  	s3 =	rddreg [dreg:$0x2];
	[bflag:$0x3] =	sbarrier.arrive $0xFFFF;
	s2 =	simm.s32 @!p0 $0x1C01  }
0x3c: {  	[timem:s3], [sflag:s2] =	dma.local @!p0 [hbm:s0], s1  }
0x3d: {  	s0 =	simm.s32 @!p0 $0x1  }
0x3e: {  	_ =	swait.ge @!p0 [sflag:s0], s1  }
0x3f: {  	s1 =	ssub.s32 @!p0 $0x0, s1;
	[sflag:s0] =	ssyncset.done @!p0 $0x0  }
0x40: {  	[sflag:s0] =	ssyncadd.s32 @!p0 s1  }
0x41: {  	[bflag:$0x3] =	sbarrier.arrive $0xFFFF  }
0x42: {  	_ =	shalt  }

</sc_bundles>
